<compile_context>
chip_gen: v7x
topology: tpu7x:2x2x1
jax: 0.10.2.dev20260603
libtpu: 0.0.44.dev20260713+nightly
codegen_flags: <defaults>
</compile_context>

<pallas_src>
import jax
import jax.numpy as jnp
from jax import lax
from jax.experimental import pallas as pl
from jax.experimental.pallas import tpu as pltpu
from jax.experimental.pallas import tpu_sc as plsc

N_NODES = 10000
N_EDGES = 320000
D_FEAT = 128

NCORE = 2
NSUB = 16
CPC = D_FEAT // NCORE
EPS = N_EDGES // NSUB
CE = 100
NWIN = EPS // CE
NPAIR = NWIN // 2
WELE = CE * CPC
ACC = N_NODES * CPC
ZSLICE = ACC // NSUB
ZCHUNK = 8000
NQ = CPC // 16


def _sc_scatter_kernel(ind2_hbm, inter_hbm, out_hbm,
                       idx0, idx1, val0, val1, fidx0, fidx1, fval0, fval1,
                       zbuf, acc, si0, si1, sv0, sv1, ss0, ss1, ssa0, ssa1,
                       zsem):
    cid = lax.axis_index("c")
    sid = lax.axis_index("s")
    cbase = cid * CPC

    def _issue_in0():
        e0 = sid * EPS
        pltpu.async_copy(ind2_hbm.at[pl.ds(e0, CE), pl.ds(cbase, CPC)],
                         idx0, si0)
        pltpu.async_copy(inter_hbm.at[pl.ds(e0, CE), pl.ds(cbase, CPC)],
                         val0, sv0)
    idxb = (idx0, idx1)
    valb = (val0, val1)
    fidxb = (fidx0, fidx1)
    fvalb = (fval0, fval1)
    sidx = (si0, si1)
    sval = (sv0, sv1)
    ssc = (ss0, ss1)
    ssc2 = (ssa0, ssa1)

    zvec = jnp.zeros((16,), jnp.float32)

    def _zero(i, _):
        zbuf[pl.ds(i * 16, 16)] = zvec
        return 0

    _issue_in0()
    lax.fori_loop(0, ZCHUNK // 16, _zero, 0)
    for t in range(ZSLICE // ZCHUNK):
        pltpu.async_copy(zbuf, acc.at[pl.ds(sid * ZSLICE + t * ZCHUNK, ZCHUNK)],
                         zsem)
    for t in range(ZSLICE // ZCHUNK):
        pltpu.make_async_copy(
            zbuf, acc.at[pl.ds(sid * ZSLICE + t * ZCHUNK, ZCHUNK)], zsem
        ).wait()
    plsc.subcore_barrier()

    col0 = lax.iota(jnp.int32, 16)
    cols = [col0 + (16 * q) for q in range(NQ)]

    def _issue_in(w, b):
        e0 = sid * EPS + w * CE
        pltpu.async_copy(ind2_hbm.at[pl.ds(e0, CE), pl.ds(cbase, CPC)],
                         idxb[b], sidx[b])
        pltpu.async_copy(inter_hbm.at[pl.ds(e0, CE), pl.ds(cbase, CPC)],
                         valb[b], sval[b])

    def _wait_in(w, b):
        e0 = sid * EPS + w * CE
        pltpu.make_async_copy(ind2_hbm.at[pl.ds(e0, CE), pl.ds(cbase, CPC)],
                              idxb[b], sidx[b]).wait()
        pltpu.make_async_copy(inter_hbm.at[pl.ds(e0, CE), pl.ds(cbase, CPC)],
                              valb[b], sval[b]).wait()

    H = WELE // 2

    def _wait_scatter(b):
        pltpu.make_async_copy(fvalb[b].at[pl.ds(0, H)],
                              acc.at[fidxb[b].at[pl.ds(0, H)]], ssc[b]).wait()
        pltpu.make_async_copy(fvalb[b].at[pl.ds(H, H)],
                              acc.at[fidxb[b].at[pl.ds(H, H)]], ssc2[b]).wait()

    def _half(k, w, b):
        _wait_in(w, b)

        @pl.when(k > 0)
        def _():
            _wait_scatter(b)

        def _repack(r, _):
            for q in range(NQ):
                src = pl.ds(16 * q, 16)
                dst = pl.ds(r * CPC + 16 * q, 16)
                fidxb[b][dst] = idxb[b][r, src] * CPC + cols[q]
                fvalb[b][dst] = valb[b][r, src]
            return 0

        lax.fori_loop(0, CE, _repack, 0)
        pltpu.async_copy(fvalb[b].at[pl.ds(0, H)],
                         acc.at[fidxb[b].at[pl.ds(0, H)]], ssc[b], add=True)
        pltpu.async_copy(fvalb[b].at[pl.ds(H, H)],
                         acc.at[fidxb[b].at[pl.ds(H, H)]], ssc2[b], add=True)

    def _pair(k, _):
        w0 = 2 * k
        _issue_in(w0 + 1, 1)
        _half(k, w0, 0)

        @pl.when(k + 1 < NPAIR)
        def _():
            _issue_in(w0 + 2, 0)

        _half(k, w0 + 1, 1)
        return 0

    lax.fori_loop(0, NPAIR, _pair, 0)
    _wait_scatter(0)
    _wait_scatter(1)
    plsc.subcore_barrier()

    rbase = sid * (N_NODES // NSUB)

    def _drain_issue(g, _):
        for u in range(5):
            row = rbase + g * 5 + u
            pltpu.async_copy(acc.at[pl.ds(row * CPC, CPC)],
                             out_hbm.at[row, pl.ds(cbase, CPC)], zsem)
        return 0

    def _drain_wait(g, _):
        for u in range(5):
            row = rbase + g * 5 + u
            pltpu.make_async_copy(acc.at[pl.ds(row * CPC, CPC)],
                                  out_hbm.at[row, pl.ds(cbase, CPC)],
                                  zsem).wait()
        return 0

    lax.fori_loop(0, N_NODES // NSUB // 5, _drain_issue, 0)
    lax.fori_loop(0, N_NODES // NSUB // 5, _drain_wait, 0)


@jax.jit
def _run(ind2_flat, inter):
    mesh = plsc.VectorSubcoreMesh(core_axis_name="c", subcore_axis_name="s")
    scatter = pl.kernel(
        _sc_scatter_kernel,
        mesh=mesh,
        out_type=jax.ShapeDtypeStruct((N_NODES, D_FEAT), jnp.float32),
        scratch_types=[
            pltpu.VMEM((CE, CPC), jnp.int32),
            pltpu.VMEM((CE, CPC), jnp.int32),
            pltpu.VMEM((CE, CPC), jnp.float32),
            pltpu.VMEM((CE, CPC), jnp.float32),
            pltpu.VMEM((WELE,), jnp.int32),
            pltpu.VMEM((WELE,), jnp.int32),
            pltpu.VMEM((WELE,), jnp.float32),
            pltpu.VMEM((WELE,), jnp.float32),
            pltpu.VMEM((ZCHUNK,), jnp.float32),
            pltpu.VMEM_SHARED((ACC,), jnp.float32),
            pltpu.SemaphoreType.DMA,
            pltpu.SemaphoreType.DMA,
            pltpu.SemaphoreType.DMA,
            pltpu.SemaphoreType.DMA,
            pltpu.SemaphoreType.DMA,
            pltpu.SemaphoreType.DMA,
            pltpu.SemaphoreType.DMA,
            pltpu.SemaphoreType.DMA,
            pltpu.SemaphoreType.DMA,
        ],
        compiler_params=pltpu.CompilerParams(use_tc_tiling_on_sc=False),
    )
    return scatter(ind2_flat, inter)


def kernel(ind_2, prop, inter):
    ind2_flat = ind_2.reshape(N_EDGES, 2 * D_FEAT)
    return _run(ind2_flat, inter)

# --- scband reference (transcript-rebuilt; emitter-appended) ---
"""Pipeline reference for scband-iplayer-82386062672476 (READ-ONLY COPY).

The authoritative reference and input builder live on the scoring server;
editing this copy changes nothing except your own understanding.
"""

import jax, jax.numpy as jnp
import numpy as np

N_NODES = 10000
N_EDGES = 320000
D_FEAT = 128


def setup_inputs(seed: int = 0) -> dict:
    key = jax.random.key(seed)
    k1, k2, k3 = jax.random.split(key, 3)
    # ind_2: [E, 2, d] index tensor; ind_2[:, 0] selects dst-node index per (edge, feature)
    ind_2 = jax.random.randint(k1, (N_EDGES, 2, D_FEAT), 0, N_NODES, dtype=jnp.int32)
    prop = jax.random.normal(k2, (N_NODES, D_FEAT), dtype=jnp.float32)
    inter = jax.random.normal(k3, (N_EDGES, D_FEAT), dtype=jnp.float32)
    return {"ind_2": ind_2, "prop": prop, "inter": inter}


def reference(ind_2, prop, inter):
    # torch.scatter_add(zeros(prop.shape[0], prop.shape[-1]), 0, ind_2[:, 0], inter)
    # out[index[i, j], j] += src[i, j]  (dim=0 scatter-add)
    N = prop.shape[0]
    d = prop.shape[-1]
    idx = ind_2[:, 0]  # [E, d]
    cols = jnp.broadcast_to(jnp.arange(d, dtype=idx.dtype)[None, :], idx.shape)  # [E, d]
    out = jnp.zeros((N, d), dtype=inter.dtype).at[idx, cols].add(inter)
    return out

if __name__ == "__main__":
    import jax
    _d = setup_inputs()
    print(jax.jit(kernel)(*tuple(_d.values())))

</pallas_src>

<mosaic_0001>
#map = affine_map<(d0, d1) -> (0, 0)>
module attributes {stable_mosaic.version = 14 : i64} {
  func.func @_sc_scatter_kernel(%arg0: i32, %arg1: i32, %arg2: memref<320000x256xi32, #tpu.memory_space<hbm>>, %arg3: memref<320000x128xf32, #tpu.memory_space<hbm>>, %arg4: memref<10000x128xf32, #tpu.memory_space<hbm>>, %arg5: memref<100x64xi32, #tpu.memory_space<vmem>>, %arg6: memref<100x64xi32, #tpu.memory_space<vmem>>, %arg7: memref<100x64xf32, #tpu.memory_space<vmem>>, %arg8: memref<100x64xf32, #tpu.memory_space<vmem>>, %arg9: memref<6400xi32, #tpu.memory_space<vmem>>, %arg10: memref<6400xi32, #tpu.memory_space<vmem>>, %arg11: memref<6400xf32, #tpu.memory_space<vmem>>, %arg12: memref<6400xf32, #tpu.memory_space<vmem>>, %arg13: memref<8000xf32, #tpu.memory_space<vmem>>, %arg14: memref<640000xf32, #tpu.memory_space<vmem_shared>>, %arg15: memref<!tpu.dma_semaphore, #tpu.memory_space<semaphore_mem>>, %arg16: memref<!tpu.dma_semaphore, #tpu.memory_space<semaphore_mem>>, %arg17: memref<!tpu.dma_semaphore, #tpu.memory_space<semaphore_mem>>, %arg18: memref<!tpu.dma_semaphore, #tpu.memory_space<semaphore_mem>>, %arg19: memref<!tpu.dma_semaphore, #tpu.memory_space<semaphore_mem>>, %arg20: memref<!tpu.dma_semaphore, #tpu.memory_space<semaphore_mem>>, %arg21: memref<!tpu.dma_semaphore, #tpu.memory_space<semaphore_mem>>, %arg22: memref<!tpu.dma_semaphore, #tpu.memory_space<semaphore_mem>>, %arg23: memref<!tpu.dma_semaphore, #tpu.memory_space<semaphore_mem>>) attributes {dimension_semantics = [#tpu.dimension_semantics<core_parallel>, #tpu.dimension_semantics<subcore_parallel>], iteration_bounds = array<i64: 2, 16>, scalar_prefetch = 0 : i64, scratch_operands = 19 : i64, tpu.core_type = #tpu.core_type<sc_vector_subcore>, window_params = [{transform_indices = #map}, {transform_indices = #map}, {transform_indices = #map}]} {
    %mul3A = arith.constant 64 : i32
    %mul3A_0 = arith.muli %arg0, %mul3A : i32
    %broadcast_in_dim3A = arith.constant 0.000000e+00 : f32
    %broadcast_in_dim3A_1 = vector.broadcast %broadcast_in_dim3A : f32 to vector<16xf32>
    %mul3A_2 = arith.constant 20000 : i32
    %mul3A_3 = arith.muli %arg1, %mul3A_2 : i32
    %dma_start3A = tpu.memref_slice %arg2[%mul3A_3, %mul3A_0] : memref<320000x256xi32, #tpu.memory_space<hbm>> -> memref<100x64xi32, #tpu.memory_space<hbm>>
    %dma_start3A_4 = tpu.memref_slice %arg2[%mul3A_3, %mul3A_0] : memref<320000x256xi32, #tpu.memory_space<hbm>> -> memref<100x64xi32, #tpu.memory_space<hbm>>
    tpu.enqueue_dma source(%dma_start3A_4 : memref<100x64xi32, #tpu.memory_space<hbm>>) target(%arg5 : memref<100x64xi32, #tpu.memory_space<vmem>>) target_semaphore(%arg15 : memref<!tpu.dma_semaphore, #tpu.memory_space<semaphore_mem>>)
    %dma_start3A_5 = tpu.memref_slice %arg3[%mul3A_3, %mul3A_0] : memref<320000x128xf32, #tpu.memory_space<hbm>> -> memref<100x64xf32, #tpu.memory_space<hbm>>
    %dma_start3A_6 = tpu.memref_slice %arg3[%mul3A_3, %mul3A_0] : memref<320000x128xf32, #tpu.memory_space<hbm>> -> memref<100x64xf32, #tpu.memory_space<hbm>>
    tpu.enqueue_dma source(%dma_start3A_6 : memref<100x64xf32, #tpu.memory_space<hbm>>) target(%arg7 : memref<100x64xf32, #tpu.memory_space<vmem>>) target_semaphore(%arg17 : memref<!tpu.dma_semaphore, #tpu.memory_space<semaphore_mem>>)
    %scan3A = arith.constant 0 : i32
    %scan3A_7 = arith.constant 0 : i32
    %scan3A_8 = arith.constant 500 : i32
    %scan3A_9 = arith.addi %scan3A_7, %scan3A_8 : i32
    %scan3A_10 = arith.constant 1 : i32
    %scan3A_11 = scf.for %scan3A_131 = %scan3A_7 to %scan3A_9 step %scan3A_10 iter_args(%scan3A_132 = %scan3A) -> (i32)  : i32 {
      %mul3A_133 = arith.constant 16 : i32
      %mul3A_134 = arith.muli %scan3A_131, %mul3A_133 : i32
      %swap3A = arith.index_cast %mul3A_134 : i32 to index
      %swap3A_135 = tpu.vector_load %arg13[%swap3A] {strides = array<i32>} : memref<8000xf32, #tpu.memory_space<vmem>>, vector<16xf32>,
      %swap3A_136 = vector.shape_cast %swap3A_135 : vector<16xf32> to vector<16xf32>
      %swap3A_137 = vector.shape_cast %broadcast_in_dim3A_1 : vector<16xf32> to vector<16xf32>
      tpu.vector_store %arg13[%swap3A], %swap3A_137 {strides = array<i32>} : memref<8000xf32, #tpu.memory_space<vmem>>, vector<16xf32>,
      %scan3A_138 = arith.constant 0 : i32
      scf.yield %scan3A_138 : i32
    }
    %scan3A_12 = arith.constant 500 : i32
    %mul3A_13 = arith.constant 40000 : i32
    %mul3A_14 = arith.muli %arg1, %mul3A_13 : i32
    %add3A = arith.constant 0 : i32
    %add3A_15 = arith.addi %mul3A_14, %add3A : i32
    %dma_start3A_16 = tpu.memref_slice %arg14[%add3A_15] : memref<640000xf32, #tpu.memory_space<vmem_shared>> -> memref<8000xf32, #tpu.memory_space<vmem_shared>>
    %dma_start3A_17 = tpu.memref_slice %arg14[%add3A_15] : memref<640000xf32, #tpu.memory_space<vmem_shared>> -> memref<8000xf32, #tpu.memory_space<vmem_shared>>
    tpu.enqueue_dma source(%arg13 : memref<8000xf32, #tpu.memory_space<vmem>>) target(%dma_start3A_17 : memref<8000xf32, #tpu.memory_space<vmem_shared>>) target_semaphore(%arg23 : memref<!tpu.dma_semaphore, #tpu.memory_space<semaphore_mem>>)
    %mul3A_18 = arith.constant 40000 : i32
    %mul3A_19 = arith.muli %arg1, %mul3A_18 : i32
    %add3A_20 = arith.constant 8000 : i32
    %add3A_21 = arith.addi %mul3A_19, %add3A_20 : i32
    %dma_start3A_22 = tpu.memref_slice %arg14[%add3A_21] : memref<640000xf32, #tpu.memory_space<vmem_shared>> -> memref<8000xf32, #tpu.memory_space<vmem_shared>>
    %dma_start3A_23 = tpu.memref_slice %arg14[%add3A_21] : memref<640000xf32, #tpu.memory_space<vmem_shared>> -> memref<8000xf32, #tpu.memory_space<vmem_shared>>
    tpu.enqueue_dma source(%arg13 : memref<8000xf32, #tpu.memory_space<vmem>>) target(%dma_start3A_23 : memref<8000xf32, #tpu.memory_space<vmem_shared>>) target_semaphore(%arg23 : memref<!tpu.dma_semaphore, #tpu.memory_space<semaphore_mem>>)
    %mul3A_24 = arith.constant 40000 : i32
    %mul3A_25 = arith.muli %arg1, %mul3A_24 : i32
    %add3A_26 = arith.constant 16000 : i32
    %add3A_27 = arith.addi %mul3A_25, %add3A_26 : i32
    %dma_start3A_28 = tpu.memref_slice %arg14[%add3A_27] : memref<640000xf32, #tpu.memory_space<vmem_shared>> -> memref<8000xf32, #tpu.memory_space<vmem_shared>>
    %dma_start3A_29 = tpu.memref_slice %arg14[%add3A_27] : memref<640000xf32, #tpu.memory_space<vmem_shared>> -> memref<8000xf32, #tpu.memory_space<vmem_shared>>
    tpu.enqueue_dma source(%arg13 : memref<8000xf32, #tpu.memory_space<vmem>>) target(%dma_start3A_29 : memref<8000xf32, #tpu.memory_space<vmem_shared>>) target_semaphore(%arg23 : memref<!tpu.dma_semaphore, #tpu.memory_space<semaphore_mem>>)
    %mul3A_30 = arith.constant 40000 : i32
    %mul3A_31 = arith.muli %arg1, %mul3A_30 : i32
    %add3A_32 = arith.constant 24000 : i32
    %add3A_33 = arith.addi %mul3A_31, %add3A_32 : i32
    %dma_start3A_34 = tpu.memref_slice %arg14[%add3A_33] : memref<640000xf32, #tpu.memory_space<vmem_shared>> -> memref<8000xf32, #tpu.memory_space<vmem_shared>>
    %dma_start3A_35 = tpu.memref_slice %arg14[%add3A_33] : memref<640000xf32, #tpu.memory_space<vmem_shared>> -> memref<8000xf32, #tpu.memory_space<vmem_shared>>
    tpu.enqueue_dma source(%arg13 : memref<8000xf32, #tpu.memory_space<vmem>>) target(%dma_start3A_35 : memref<8000xf32, #tpu.memory_space<vmem_shared>>) target_semaphore(%arg23 : memref<!tpu.dma_semaphore, #tpu.memory_space<semaphore_mem>>)
    %mul3A_36 = arith.constant 40000 : i32
    %mul3A_37 = arith.muli %arg1, %mul3A_36 : i32
    %add3A_38 = arith.constant 32000 : i32
    %add3A_39 = arith.addi %mul3A_37, %add3A_38 : i32
    %dma_start3A_40 = tpu.memref_slice %arg14[%add3A_39] : memref<640000xf32, #tpu.memory_space<vmem_shared>> -> memref<8000xf32, #tpu.memory_space<vmem_shared>>
    %dma_start3A_41 = tpu.memref_slice %arg14[%add3A_39] : memref<640000xf32, #tpu.memory_space<vmem_shared>> -> memref<8000xf32, #tpu.memory_space<vmem_shared>>
    tpu.enqueue_dma source(%arg13 : memref<8000xf32, #tpu.memory_space<vmem>>) target(%dma_start3A_41 : memref<8000xf32, #tpu.memory_space<vmem_shared>>) target_semaphore(%arg23 : memref<!tpu.dma_semaphore, #tpu.memory_space<semaphore_mem>>)
    %mul3A_42 = arith.constant 40000 : i32
    %mul3A_43 = arith.muli %arg1, %mul3A_42 : i32
    %add3A_44 = arith.constant 0 : i32
    %add3A_45 = arith.addi %mul3A_43, %add3A_44 : i32
    %dma_wait3A = tpu.memref_slice %arg14[%add3A_45] : memref<640000xf32, #tpu.memory_space<vmem_shared>> -> memref<8000xf32, #tpu.memory_space<vmem_shared>>
    %dma_wait3A_46 = tpu.memref_slice %arg14[%add3A_45] : memref<640000xf32, #tpu.memory_space<vmem_shared>> -> memref<8000xf32, #tpu.memory_space<vmem_shared>>
    tpu.wait_dma2 semaphore(%arg23 : memref<!tpu.dma_semaphore, #tpu.memory_space<semaphore_mem>>) src(%arg13 : memref<8000xf32, #tpu.memory_space<vmem>>) dst(%dma_wait3A_46 : memref<8000xf32, #tpu.memory_space<vmem_shared>>)
    %mul3A_47 = arith.constant 40000 : i32
    %mul3A_48 = arith.muli %arg1, %mul3A_47 : i32
    %add3A_49 = arith.constant 8000 : i32
    %add3A_50 = arith.addi %mul3A_48, %add3A_49 : i32
    %dma_wait3A_51 = tpu.memref_slice %arg14[%add3A_50] : memref<640000xf32, #tpu.memory_space<vmem_shared>> -> memref<8000xf32, #tpu.memory_space<vmem_shared>>
    %dma_wait3A_52 = tpu.memref_slice %arg14[%add3A_50] : memref<640000xf32, #tpu.memory_space<vmem_shared>> -> memref<8000xf32, #tpu.memory_space<vmem_shared>>
    tpu.wait_dma2 semaphore(%arg23 : memref<!tpu.dma_semaphore, #tpu.memory_space<semaphore_mem>>) src(%arg13 : memref<8000xf32, #tpu.memory_space<vmem>>) dst(%dma_wait3A_52 : memref<8000xf32, #tpu.memory_space<vmem_shared>>)
    %mul3A_53 = arith.constant 40000 : i32
    %mul3A_54 = arith.muli %arg1, %mul3A_53 : i32
    %add3A_55 = arith.constant 16000 : i32
    %add3A_56 = arith.addi %mul3A_54, %add3A_55 : i32
    %dma_wait3A_57 = tpu.memref_slice %arg14[%add3A_56] : memref<640000xf32, #tpu.memory_space<vmem_shared>> -> memref<8000xf32, #tpu.memory_space<vmem_shared>>
    %dma_wait3A_58 = tpu.memref_slice %arg14[%add3A_56] : memref<640000xf32, #tpu.memory_space<vmem_shared>> -> memref<8000xf32, #tpu.memory_space<vmem_shared>>
    tpu.wait_dma2 semaphore(%arg23 : memref<!tpu.dma_semaphore, #tpu.memory_space<semaphore_mem>>) src(%arg13 : memref<8000xf32, #tpu.memory_space<vmem>>) dst(%dma_wait3A_58 : memref<8000xf32, #tpu.memory_space<vmem_shared>>)
    %mul3A_59 = arith.constant 40000 : i32
    %mul3A_60 = arith.muli %arg1, %mul3A_59 : i32
    %add3A_61 = arith.constant 24000 : i32
    %add3A_62 = arith.addi %mul3A_60, %add3A_61 : i32
    %dma_wait3A_63 = tpu.memref_slice %arg14[%add3A_62] : memref<640000xf32, #tpu.memory_space<vmem_shared>> -> memref<8000xf32, #tpu.memory_space<vmem_shared>>
    %dma_wait3A_64 = tpu.memref_slice %arg14[%add3A_62] : memref<640000xf32, #tpu.memory_space<vmem_shared>> -> memref<8000xf32, #tpu.memory_space<vmem_shared>>
    tpu.wait_dma2 semaphore(%arg23 : memref<!tpu.dma_semaphore, #tpu.memory_space<semaphore_mem>>) src(%arg13 : memref<8000xf32, #tpu.memory_space<vmem>>) dst(%dma_wait3A_64 : memref<8000xf32, #tpu.memory_space<vmem_shared>>)
    %mul3A_65 = arith.constant 40000 : i32
    %mul3A_66 = arith.muli %arg1, %mul3A_65 : i32
    %add3A_67 = arith.constant 32000 : i32
    %add3A_68 = arith.addi %mul3A_66, %add3A_67 : i32
    %dma_wait3A_69 = tpu.memref_slice %arg14[%add3A_68] : memref<640000xf32, #tpu.memory_space<vmem_shared>> -> memref<8000xf32, #tpu.memory_space<vmem_shared>>
    %dma_wait3A_70 = tpu.memref_slice %arg14[%add3A_68] : memref<640000xf32, #tpu.memory_space<vmem_shared>> -> memref<8000xf32, #tpu.memory_space<vmem_shared>>
    tpu.wait_dma2 semaphore(%arg23 : memref<!tpu.dma_semaphore, #tpu.memory_space<semaphore_mem>>) src(%arg13 : memref<8000xf32, #tpu.memory_space<vmem>>) dst(%dma_wait3A_70 : memref<8000xf32, #tpu.memory_space<vmem_shared>>)
    %barrier3A = arith.constant 0 : index
    tpu.barrier barrier_id(%barrier3A)
    %iota3A = tpu.iota {dimensions = array<i32: 0>} : vector<16xi32>
    %add3A_71 = arith.constant 0 : i32
    %add3A_72 = vector.broadcast %add3A_71 : i32 to vector<16xi32>
    %add3A_73 = arith.addi %iota3A, %add3A_72 : vector<16xi32>
    %add3A_74 = arith.constant 16 : i32
    %add3A_75 = vector.broadcast %add3A_74 : i32 to vector<16xi32>
    %add3A_76 = arith.addi %iota3A, %add3A_75 : vector<16xi32>
    %add3A_77 = arith.constant 32 : i32
    %add3A_78 = vector.broadcast %add3A_77 : i32 to vector<16xi32>
    %add3A_79 = arith.addi %iota3A, %add3A_78 : vector<16xi32>
    %add3A_80 = arith.constant 48 : i32
    %add3A_81 = vector.broadcast %add3A_80 : i32 to vector<16xi32>
    %add3A_82 = arith.addi %iota3A, %add3A_81 : vector<16xi32>
    %scan3A_83 = arith.constant 0 : i32
    %scan3A_84 = arith.constant 0 : i32
    %scan3A_85 = arith.constant 100 : i32
    %scan3A_86 = arith.addi %scan3A_84, %scan3A_85 : i32
    %scan3A_87 = arith.constant 1 : i32
    %scan3A_88 = scf.for %scan3A_131 = %scan3A_84 to %scan3A_86 step %scan3A_87 iter_args(%scan3A_132 = %scan3A_83) -> (i32)  : i32 {
      %mul3A_133 = arith.constant 2 : i32
      %mul3A_134 = arith.muli %mul3A_133, %scan3A_131 : i32
      %add3A_135 = arith.constant 1 : i32
      %add3A_136 = arith.addi %mul3A_134, %add3A_135 : i32
      %mul3A_137 = arith.constant 20000 : i32
      %mul3A_138 = arith.muli %arg1, %mul3A_137 : i32
      %mul3A_139 = arith.constant 100 : i32
      %mul3A_140 = arith.muli %add3A_136, %mul3A_139 : i32
      %add3A_141 = arith.addi %mul3A_138, %mul3A_140 : i32
      %dma_start3A_142 = tpu.memref_slice %arg2[%add3A_141, %mul3A_0] : memref<320000x256xi32, #tpu.memory_space<hbm>> -> memref<100x64xi32, #tpu.memory_space<hbm>>
      %dma_start3A_143 = tpu.memref_slice %arg2[%add3A_141, %mul3A_0] : memref<320000x256xi32, #tpu.memory_space<hbm>> -> memref<100x64xi32, #tpu.memory_space<hbm>>
      tpu.enqueue_dma source(%dma_start3A_143 : memref<100x64xi32, #tpu.memory_space<hbm>>) target(%arg6 : memref<100x64xi32, #tpu.memory_space<vmem>>) target_semaphore(%arg16 : memref<!tpu.dma_semaphore, #tpu.memory_space<semaphore_mem>>)
      %dma_start3A_144 = tpu.memref_slice %arg3[%add3A_141, %mul3A_0] : memref<320000x128xf32, #tpu.memory_space<hbm>> -> memref<100x64xf32, #tpu.memory_space<hbm>>
      %dma_start3A_145 = tpu.memref_slice %arg3[%add3A_141, %mul3A_0] : memref<320000x128xf32, #tpu.memory_space<hbm>> -> memref<100x64xf32, #tpu.memory_space<hbm>>
      tpu.enqueue_dma source(%dma_start3A_145 : memref<100x64xf32, #tpu.memory_space<hbm>>) target(%arg8 : memref<100x64xf32, #tpu.memory_space<vmem>>) target_semaphore(%arg18 : memref<!tpu.dma_semaphore, #tpu.memory_space<semaphore_mem>>)
      %mul3A_146 = arith.constant 20000 : i32
      %mul3A_147 = arith.muli %arg1, %mul3A_146 : i32
      %mul3A_148 = arith.constant 100 : i32
      %mul3A_149 = arith.muli %mul3A_134, %mul3A_148 : i32
      %add3A_150 = arith.addi %mul3A_147, %mul3A_149 : i32
      %dma_wait3A_151 = tpu.memref_slice %arg2[%add3A_150, %mul3A_0] : memref<320000x256xi32, #tpu.memory_space<hbm>> -> memref<100x64xi32, #tpu.memory_space<hbm>>
      %dma_wait3A_152 = tpu.memref_slice %arg2[%add3A_150, %mul3A_0] : memref<320000x256xi32, #tpu.memory_space<hbm>> -> memref<100x64xi32, #tpu.memory_space<hbm>>
      tpu.wait_dma2 semaphore(%arg15 : memref<!tpu.dma_semaphore, #tpu.memory_space<semaphore_mem>>) src(%dma_wait3A_152 : memref<100x64xi32, #tpu.memory_space<hbm>>) dst(%arg5 : memref<100x64xi32, #tpu.memory_space<vmem>>)
      %dma_wait3A_153 = tpu.memref_slice %arg3[%add3A_150, %mul3A_0] : memref<320000x128xf32, #tpu.memory_space<hbm>> -> memref<100x64xf32, #tpu.memory_space<hbm>>
      %dma_wait3A_154 = tpu.memref_slice %arg3[%add3A_150, %mul3A_0] : memref<320000x128xf32, #tpu.memory_space<hbm>> -> memref<100x64xf32, #tpu.memory_space<hbm>>
      tpu.wait_dma2 semaphore(%arg17 : memref<!tpu.dma_semaphore, #tpu.memory_space<semaphore_mem>>) src(%dma_wait3A_154 : memref<100x64xf32, #tpu.memory_space<hbm>>) dst(%arg7 : memref<100x64xf32, #tpu.memory_space<vmem>>)
      %gt3A = arith.constant 0 : i32
      %gt3A_155 = arith.cmpi sgt, %scan3A_131, %gt3A : i32
      %convert_element_type3A = arith.extui %gt3A_155 : i1 to i32
      %cond3A = arith.constant 0 : i32
      %cond3A_156 = arith.cmpi ne, %convert_element_type3A, %cond3A : i32
      scf.if %cond3A_156 {
        %dma_wait3A_218 = arith.constant 0 : i32
        %dma_wait3A_219 = tpu.memref_slice %arg11[%dma_wait3A_218] : memref<6400xf32, #tpu.memory_space<vmem>> -> memref<3200xf32, #tpu.memory_space<vmem>>
        %dma_wait3A_220 = arith.constant 0 : i32
        %dma_wait3A_221 = tpu.memref_slice %arg9[%dma_wait3A_220] : memref<6400xi32, #tpu.memory_space<vmem>> -> memref<3200xi32, #tpu.memory_space<vmem>>
        %dma_wait3A_222 = arith.constant 0 : i32
        %dma_wait3A_223 = tpu.memref_slice %arg14[%dma_wait3A_222] : memref<640000xf32, #tpu.memory_space<vmem_shared>> -> memref<640000xf32, #tpu.memory_space<vmem_shared>>
        tpu.wait_indirect_dma semaphore(%arg19 : memref<!tpu.dma_semaphore, #tpu.memory_space<semaphore_mem>>) src(%dma_wait3A_219 : memref<3200xf32, #tpu.memory_space<vmem>>) dst(%dma_wait3A_223 : memref<640000xf32, #tpu.memory_space<vmem_shared>>)
        %dma_wait3A_224 = arith.constant 3200 : i32
        %dma_wait3A_225 = tpu.memref_slice %arg11[%dma_wait3A_224] : memref<6400xf32, #tpu.memory_space<vmem>> -> memref<3200xf32, #tpu.memory_space<vmem>>
        %dma_wait3A_226 = arith.constant 3200 : i32
        %dma_wait3A_227 = tpu.memref_slice %arg9[%dma_wait3A_226] : memref<6400xi32, #tpu.memory_space<vmem>> -> memref<3200xi32, #tpu.memory_space<vmem>>
        %dma_wait3A_228 = arith.constant 0 : i32
        %dma_wait3A_229 = tpu.memref_slice %arg14[%dma_wait3A_228] : memref<640000xf32, #tpu.memory_space<vmem_shared>> -> memref<640000xf32, #tpu.memory_space<vmem_shared>>
        tpu.wait_indirect_dma semaphore(%arg21 : memref<!tpu.dma_semaphore, #tpu.memory_space<semaphore_mem>>) src(%dma_wait3A_225 : memref<3200xf32, #tpu.memory_space<vmem>>) dst(%dma_wait3A_229 : memref<640000xf32, #tpu.memory_space<vmem_shared>>)
      } else {
      }
      %scan3A_157 = arith.constant 0 : i32
      %scan3A_158 = arith.constant 0 : i32
      %scan3A_159 = arith.constant 100 : i32
      %scan3A_160 = arith.addi %scan3A_158, %scan3A_159 : i32
      %scan3A_161 = arith.constant 1 : i32
      %scan3A_162 = scf.for %scan3A_218 = %scan3A_158 to %scan3A_160 step %scan3A_161 iter_args(%scan3A_219 = %scan3A_157) -> (i32)  : i32 {
        %mul3A_220 = arith.constant 64 : i32
        %mul3A_221 = arith.muli %scan3A_218, %mul3A_220 : i32
        %add3A_222 = arith.constant 0 : i32
        %add3A_223 = arith.addi %mul3A_221, %add3A_222 : i32
        %get3A = arith.index_cast %scan3A_218 : i32 to index
        %get3A_224 = arith.constant 0 : index
        %get3A_225 = tpu.vector_load %arg5[%get3A, %get3A_224] {strides = array<i32>} : memref<100x64xi32, #tpu.memory_space<vmem>>, vector<1x16xi32>,
        %get3A_226 = vector.shape_cast %get3A_225 : vector<1x16xi32> to vector<16xi32>
        %mul3A_227 = arith.constant 64 : i32
        %mul3A_228 = vector.broadcast %mul3A_227 : i32 to vector<16xi32>
        %mul3A_229 = arith.muli %get3A_226, %mul3A_228 : vector<16xi32>
        %add3A_230 = arith.addi %mul3A_229, %add3A_73 : vector<16xi32>
        %swap3A = arith.index_cast %add3A_223 : i32 to index
        %swap3A_231 = tpu.vector_load %arg9[%swap3A] {strides = array<i32>} : memref<6400xi32, #tpu.memory_space<vmem>>, vector<16xi32>,
        %swap3A_232 = vector.shape_cast %swap3A_231 : vector<16xi32> to vector<16xi32>
        %swap3A_233 = vector.shape_cast %add3A_230 : vector<16xi32> to vector<16xi32>
        tpu.vector_store %arg9[%swap3A], %swap3A_233 {strides = array<i32>} : memref<6400xi32, #tpu.memory_space<vmem>>, vector<16xi32>,
        %get3A_234 = arith.index_cast %scan3A_218 : i32 to index
        %get3A_235 = arith.constant 0 : index
        %get3A_236 = tpu.vector_load %arg7[%get3A_234, %get3A_235] {strides = array<i32>} : memref<100x64xf32, #tpu.memory_space<vmem>>, vector<1x16xf32>,
        %get3A_237 = vector.shape_cast %get3A_236 : vector<1x16xf32> to vector<16xf32>
        %swap3A_238 = arith.index_cast %add3A_223 : i32 to index
        %swap3A_239 = tpu.vector_load %arg11[%swap3A_238] {strides = array<i32>} : memref<6400xf32, #tpu.memory_space<vmem>>, vector<16xf32>,
        %swap3A_240 = vector.shape_cast %swap3A_239 : vector<16xf32> to vector<16xf32>
        %swap3A_241 = vector.shape_cast %get3A_237 : vector<16xf32> to vector<16xf32>
        tpu.vector_store %arg11[%swap3A_238], %swap3A_241 {strides = array<i32>} : memref<6400xf32, #tpu.memory_space<vmem>>, vector<16xf32>,
        %mul3A_242 = arith.constant 64 : i32
        %mul3A_243 = arith.muli %scan3A_218, %mul3A_242 : i32
        %add3A_244 = arith.constant 16 : i32
        %add3A_245 = arith.addi %mul3A_243, %add3A_244 : i32
        %get3A_246 = arith.index_cast %scan3A_218 : i32 to index
        %get3A_247 = arith.constant 16 : index
        %get3A_248 = tpu.vector_load %arg5[%get3A_246, %get3A_247] {strides = array<i32>} : memref<100x64xi32, #tpu.memory_space<vmem>>, vector<1x16xi32>,
        %get3A_249 = vector.shape_cast %get3A_248 : vector<1x16xi32> to vector<16xi32>
        %mul3A_250 = arith.constant 64 : i32
        %mul3A_251 = vector.broadcast %mul3A_250 : i32 to vector<16xi32>
        %mul3A_252 = arith.muli %get3A_249, %mul3A_251 : vector<16xi32>
        %add3A_253 = arith.addi %mul3A_252, %add3A_76 : vector<16xi32>
        %swap3A_254 = arith.index_cast %add3A_245 : i32 to index
        %swap3A_255 = tpu.vector_load %arg9[%swap3A_254] {strides = array<i32>} : memref<6400xi32, #tpu.memory_space<vmem>>, vector<16xi32>,
        %swap3A_256 = vector.shape_cast %swap3A_255 : vector<16xi32> to vector<16xi32>
        %swap3A_257 = vector.shape_cast %add3A_253 : vector<16xi32> to vector<16xi32>
        tpu.vector_store %arg9[%swap3A_254], %swap3A_257 {strides = array<i32>} : memref<6400xi32, #tpu.memory_space<vmem>>, vector<16xi32>,
        %get3A_258 = arith.index_cast %scan3A_218 : i32 to index
        %get3A_259 = arith.constant 16 : index
        %get3A_260 = tpu.vector_load %arg7[%get3A_258, %get3A_259] {strides = array<i32>} : memref<100x64xf32, #tpu.memory_space<vmem>>, vector<1x16xf32>,
        %get3A_261 = vector.shape_cast %get3A_260 : vector<1x16xf32> to vector<16xf32>
        %swap3A_262 = arith.index_cast %add3A_245 : i32 to index
        %swap3A_263 = tpu.vector_load %arg11[%swap3A_262] {strides = array<i32>} : memref<6400xf32, #tpu.memory_space<vmem>>, vector<16xf32>,
        %swap3A_264 = vector.shape_cast %swap3A_263 : vector<16xf32> to vector<16xf32>
        %swap3A_265 = vector.shape_cast %get3A_261 : vector<16xf32> to vector<16xf32>
        tpu.vector_store %arg11[%swap3A_262], %swap3A_265 {strides = array<i32>} : memref<6400xf32, #tpu.memory_space<vmem>>, vector<16xf32>,
        %mul3A_266 = arith.constant 64 : i32
        %mul3A_267 = arith.muli %scan3A_218, %mul3A_266 : i32
        %add3A_268 = arith.constant 32 : i32
        %add3A_269 = arith.addi %mul3A_267, %add3A_268 : i32
        %get3A_270 = arith.index_cast %scan3A_218 : i32 to index
        %get3A_271 = arith.constant 32 : index
        %get3A_272 = tpu.vector_load %arg5[%get3A_270, %get3A_271] {strides = array<i32>} : memref<100x64xi32, #tpu.memory_space<vmem>>, vector<1x16xi32>,
        %get3A_273 = vector.shape_cast %get3A_272 : vector<1x16xi32> to vector<16xi32>
        %mul3A_274 = arith.constant 64 : i32
        %mul3A_275 = vector.broadcast %mul3A_274 : i32 to vector<16xi32>
        %mul3A_276 = arith.muli %get3A_273, %mul3A_275 : vector<16xi32>
        %add3A_277 = arith.addi %mul3A_276, %add3A_79 : vector<16xi32>
        %swap3A_278 = arith.index_cast %add3A_269 : i32 to index
        %swap3A_279 = tpu.vector_load %arg9[%swap3A_278] {strides = array<i32>} : memref<6400xi32, #tpu.memory_space<vmem>>, vector<16xi32>,
        %swap3A_280 = vector.shape_cast %swap3A_279 : vector<16xi32> to vector<16xi32>
        %swap3A_281 = vector.shape_cast %add3A_277 : vector<16xi32> to vector<16xi32>
        tpu.vector_store %arg9[%swap3A_278], %swap3A_281 {strides = array<i32>} : memref<6400xi32, #tpu.memory_space<vmem>>, vector<16xi32>,
        %get3A_282 = arith.index_cast %scan3A_218 : i32 to index
        %get3A_283 = arith.constant 32 : index
        %get3A_284 = tpu.vector_load %arg7[%get3A_282, %get3A_283] {strides = array<i32>} : memref<100x64xf32, #tpu.memory_space<vmem>>, vector<1x16xf32>,
        %get3A_285 = vector.shape_cast %get3A_284 : vector<1x16xf32> to vector<16xf32>
        %swap3A_286 = arith.index_cast %add3A_269 : i32 to index
        %swap3A_287 = tpu.vector_load %arg11[%swap3A_286] {strides = array<i32>} : memref<6400xf32, #tpu.memory_space<vmem>>, vector<16xf32>,
        %swap3A_288 = vector.shape_cast %swap3A_287 : vector<16xf32> to vector<16xf32>
        %swap3A_289 = vector.shape_cast %get3A_285 : vector<16xf32> to vector<16xf32>
        tpu.vector_store %arg11[%swap3A_286], %swap3A_289 {strides = array<i32>} : memref<6400xf32, #tpu.memory_space<vmem>>, vector<16xf32>,
        %mul3A_290 = arith.constant 64 : i32
        %mul3A_291 = arith.muli %scan3A_218, %mul3A_290 : i32
        %add3A_292 = arith.constant 48 : i32
        %add3A_293 = arith.addi %mul3A_291, %add3A_292 : i32
        %get3A_294 = arith.index_cast %scan3A_218 : i32 to index
        %get3A_295 = arith.constant 48 : index
        %get3A_296 = tpu.vector_load %arg5[%get3A_294, %get3A_295] {strides = array<i32>} : memref<100x64xi32, #tpu.memory_space<vmem>>, vector<1x16xi32>,
        %get3A_297 = vector.shape_cast %get3A_296 : vector<1x16xi32> to vector<16xi32>
        %mul3A_298 = arith.constant 64 : i32
        %mul3A_299 = vector.broadcast %mul3A_298 : i32 to vector<16xi32>
        %mul3A_300 = arith.muli %get3A_297, %mul3A_299 : vector<16xi32>
        %add3A_301 = arith.addi %mul3A_300, %add3A_82 : vector<16xi32>
        %swap3A_302 = arith.index_cast %add3A_293 : i32 to index
        %swap3A_303 = tpu.vector_load %arg9[%swap3A_302] {strides = array<i32>} : memref<6400xi32, #tpu.memory_space<vmem>>, vector<16xi32>,
        %swap3A_304 = vector.shape_cast %swap3A_303 : vector<16xi32> to vector<16xi32>
        %swap3A_305 = vector.shape_cast %add3A_301 : vector<16xi32> to vector<16xi32>
        tpu.vector_store %arg9[%swap3A_302], %swap3A_305 {strides = array<i32>} : memref<6400xi32, #tpu.memory_space<vmem>>, vector<16xi32>,
        %get3A_306 = arith.index_cast %scan3A_218 : i32 to index
        %get3A_307 = arith.constant 48 : index
        %get3A_308 = tpu.vector_load %arg7[%get3A_306, %get3A_307] {strides = array<i32>} : memref<100x64xf32, #tpu.memory_space<vmem>>, vector<1x16xf32>,
        %get3A_309 = vector.shape_cast %get3A_308 : vector<1x16xf32> to vector<16xf32>
        %swap3A_310 = arith.index_cast %add3A_293 : i32 to index
        %swap3A_311 = tpu.vector_load %arg11[%swap3A_310] {strides = array<i32>} : memref<6400xf32, #tpu.memory_space<vmem>>, vector<16xf32>,
        %swap3A_312 = vector.shape_cast %swap3A_311 : vector<16xf32> to vector<16xf32>
        %swap3A_313 = vector.shape_cast %get3A_309 : vector<16xf32> to vector<16xf32>
        tpu.vector_store %arg11[%swap3A_310], %swap3A_313 {strides = array<i32>} : memref<6400xf32, #tpu.memory_space<vmem>>, vector<16xf32>,
        %scan3A_314 = arith.constant 0 : i32
        scf.yield %scan3A_314 : i32
      }
      %scan3A_163 = arith.constant 100 : i32
      %dma_start3A_164 = arith.constant 0 : i32
      %dma_start3A_165 = tpu.memref_slice %arg11[%dma_start3A_164] : memref<6400xf32, #tpu.memory_space<vmem>> -> memref<3200xf32, #tpu.memory_space<vmem>>
      %dma_start3A_166 = arith.constant 0 : i32
      %dma_start3A_167 = tpu.memref_slice %arg9[%dma_start3A_166] : memref<6400xi32, #tpu.memory_space<vmem>> -> memref<3200xi32, #tpu.memory_space<vmem>>
      %dma_start3A_168 = arith.constant 0 : i32
      %dma_start3A_169 = tpu.memref_slice %arg14[%dma_start3A_168] : memref<640000xf32, #tpu.memory_space<vmem_shared>> -> memref<640000xf32, #tpu.memory_space<vmem_shared>>
      tpu.enqueue_indirect_dma source(%dma_start3A_165 : memref<3200xf32, #tpu.memory_space<vmem>>) target(%dma_start3A_169 : memref<640000xf32, #tpu.memory_space<vmem_shared>>) offsets(%dma_start3A_167 : memref<3200xi32, #tpu.memory_space<vmem>>) semaphore(%arg19 : memref<!tpu.dma_semaphore, #tpu.memory_space<semaphore_mem>>) {add = true}
      %dma_start3A_170 = arith.constant 3200 : i32
      %dma_start3A_171 = tpu.memref_slice %arg11[%dma_start3A_170] : memref<6400xf32, #tpu.memory_space<vmem>> -> memref<3200xf32, #tpu.memory_space<vmem>>
      %dma_start3A_172 = arith.constant 3200 : i32
      %dma_start3A_173 = tpu.memref_slice %arg9[%dma_start3A_172] : memref<6400xi32, #tpu.memory_space<vmem>> -> memref<3200xi32, #tpu.memory_space<vmem>>
      %dma_start3A_174 = arith.constant 0 : i32
      %dma_start3A_175 = tpu.memref_slice %arg14[%dma_start3A_174] : memref<640000xf32, #tpu.memory_space<vmem_shared>> -> memref<640000xf32, #tpu.memory_space<vmem_shared>>
      tpu.enqueue_indirect_dma source(%dma_start3A_171 : memref<3200xf32, #tpu.memory_space<vmem>>) target(%dma_start3A_175 : memref<640000xf32, #tpu.memory_space<vmem_shared>>) offsets(%dma_start3A_173 : memref<3200xi32, #tpu.memory_space<vmem>>) semaphore(%arg21 : memref<!tpu.dma_semaphore, #tpu.memory_space<semaphore_mem>>) {add = true}
      %add3A_176 = arith.constant 1 : i32
      %add3A_177 = arith.addi %scan3A_131, %add3A_176 : i32
      %lt3A = arith.constant 100 : i32
      %lt3A_178 = arith.cmpi slt, %add3A_177, %lt3A : i32
      %convert_element_type3A_179 = arith.extui %lt3A_178 : i1 to i32
      %cond3A_180 = arith.constant 0 : i32
      %cond3A_181 = arith.cmpi ne, %convert_element_type3A_179, %cond3A_180 : i32
      scf.if %cond3A_181 {
        %add3A_218 = arith.constant 2 : i32
        %add3A_219 = arith.addi %mul3A_134, %add3A_218 : i32
        %mul3A_220 = arith.constant 20000 : i32
        %mul3A_221 = arith.muli %arg1, %mul3A_220 : i32
        %mul3A_222 = arith.constant 100 : i32
        %mul3A_223 = arith.muli %add3A_219, %mul3A_222 : i32
        %add3A_224 = arith.addi %mul3A_221, %mul3A_223 : i32
        %dma_start3A_225 = tpu.memref_slice %arg2[%add3A_224, %mul3A_0] : memref<320000x256xi32, #tpu.memory_space<hbm>> -> memref<100x64xi32, #tpu.memory_space<hbm>>
        %dma_start3A_226 = tpu.memref_slice %arg2[%add3A_224, %mul3A_0] : memref<320000x256xi32, #tpu.memory_space<hbm>> -> memref<100x64xi32, #tpu.memory_space<hbm>>
        tpu.enqueue_dma source(%dma_start3A_226 : memref<100x64xi32, #tpu.memory_space<hbm>>) target(%arg5 : memref<100x64xi32, #tpu.memory_space<vmem>>) target_semaphore(%arg15 : memref<!tpu.dma_semaphore, #tpu.memory_space<semaphore_mem>>)
        %dma_start3A_227 = tpu.memref_slice %arg3[%add3A_224, %mul3A_0] : memref<320000x128xf32, #tpu.memory_space<hbm>> -> memref<100x64xf32, #tpu.memory_space<hbm>>
        %dma_start3A_228 = tpu.memref_slice %arg3[%add3A_224, %mul3A_0] : memref<320000x128xf32, #tpu.memory_space<hbm>> -> memref<100x64xf32, #tpu.memory_space<hbm>>
        tpu.enqueue_dma source(%dma_start3A_228 : memref<100x64xf32, #tpu.memory_space<hbm>>) target(%arg7 : memref<100x64xf32, #tpu.memory_space<vmem>>) target_semaphore(%arg17 : memref<!tpu.dma_semaphore, #tpu.memory_space<semaphore_mem>>)
      } else {
      }
      %add3A_182 = arith.constant 1 : i32
      %add3A_183 = arith.addi %mul3A_134, %add3A_182 : i32
      %mul3A_184 = arith.constant 20000 : i32
      %mul3A_185 = arith.muli %arg1, %mul3A_184 : i32
      %mul3A_186 = arith.constant 100 : i32
      %mul3A_187 = arith.muli %add3A_183, %mul3A_186 : i32
      %add3A_188 = arith.addi %mul3A_185, %mul3A_187 : i32
      %dma_wait3A_189 = tpu.memref_slice %arg2[%add3A_188, %mul3A_0] : memref<320000x256xi32, #tpu.memory_space<hbm>> -> memref<100x64xi32, #tpu.memory_space<hbm>>
      %dma_wait3A_190 = tpu.memref_slice %arg2[%add3A_188, %mul3A_0] : memref<320000x256xi32, #tpu.memory_space<hbm>> -> memref<100x64xi32, #tpu.memory_space<hbm>>
      tpu.wait_dma2 semaphore(%arg16 : memref<!tpu.dma_semaphore, #tpu.memory_space<semaphore_mem>>) src(%dma_wait3A_190 : memref<100x64xi32, #tpu.memory_space<hbm>>) dst(%arg6 : memref<100x64xi32, #tpu.memory_space<vmem>>)
      %dma_wait3A_191 = tpu.memref_slice %arg3[%add3A_188, %mul3A_0] : memref<320000x128xf32, #tpu.memory_space<hbm>> -> memref<100x64xf32, #tpu.memory_space<hbm>>
      %dma_wait3A_192 = tpu.memref_slice %arg3[%add3A_188, %mul3A_0] : memref<320000x128xf32, #tpu.memory_space<hbm>> -> memref<100x64xf32, #tpu.memory_space<hbm>>
      tpu.wait_dma2 semaphore(%arg18 : memref<!tpu.dma_semaphore, #tpu.memory_space<semaphore_mem>>) src(%dma_wait3A_192 : memref<100x64xf32, #tpu.memory_space<hbm>>) dst(%arg8 : memref<100x64xf32, #tpu.memory_space<vmem>>)
      %gt3A_193 = arith.constant 0 : i32
      %gt3A_194 = arith.cmpi sgt, %scan3A_131, %gt3A_193 : i32
      %convert_element_type3A_195 = arith.extui %gt3A_194 : i1 to i32
      %cond3A_196 = arith.constant 0 : i32
      %cond3A_197 = arith.cmpi ne, %convert_element_type3A_195, %cond3A_196 : i32
      scf.if %cond3A_197 {
        %dma_wait3A_218 = arith.constant 0 : i32
        %dma_wait3A_219 = tpu.memref_slice %arg12[%dma_wait3A_218] : memref<6400xf32, #tpu.memory_space<vmem>> -> memref<3200xf32, #tpu.memory_space<vmem>>
        %dma_wait3A_220 = arith.constant 0 : i32
        %dma_wait3A_221 = tpu.memref_slice %arg10[%dma_wait3A_220] : memref<6400xi32, #tpu.memory_space<vmem>> -> memref<3200xi32, #tpu.memory_space<vmem>>
        %dma_wait3A_222 = arith.constant 0 : i32
        %dma_wait3A_223 = tpu.memref_slice %arg14[%dma_wait3A_222] : memref<640000xf32, #tpu.memory_space<vmem_shared>> -> memref<640000xf32, #tpu.memory_space<vmem_shared>>
        tpu.wait_indirect_dma semaphore(%arg20 : memref<!tpu.dma_semaphore, #tpu.memory_space<semaphore_mem>>) src(%dma_wait3A_219 : memref<3200xf32, #tpu.memory_space<vmem>>) dst(%dma_wait3A_223 : memref<640000xf32, #tpu.memory_space<vmem_shared>>)
        %dma_wait3A_224 = arith.constant 3200 : i32
        %dma_wait3A_225 = tpu.memref_slice %arg12[%dma_wait3A_224] : memref<6400xf32, #tpu.memory_space<vmem>> -> memref<3200xf32, #tpu.memory_space<vmem>>
        %dma_wait3A_226 = arith.constant 3200 : i32
        %dma_wait3A_227 = tpu.memref_slice %arg10[%dma_wait3A_226] : memref<6400xi32, #tpu.memory_space<vmem>> -> memref<3200xi32, #tpu.memory_space<vmem>>
        %dma_wait3A_228 = arith.constant 0 : i32
        %dma_wait3A_229 = tpu.memref_slice %arg14[%dma_wait3A_228] : memref<640000xf32, #tpu.memory_space<vmem_shared>> -> memref<640000xf32, #tpu.memory_space<vmem_shared>>
        tpu.wait_indirect_dma semaphore(%arg22 : memref<!tpu.dma_semaphore, #tpu.memory_space<semaphore_mem>>) src(%dma_wait3A_225 : memref<3200xf32, #tpu.memory_space<vmem>>) dst(%dma_wait3A_229 : memref<640000xf32, #tpu.memory_space<vmem_shared>>)
      } else {
      }
      %scan3A_198 = arith.constant 0 : i32
      %scan3A_199 = arith.constant 0 : i32
      %scan3A_200 = arith.constant 100 : i32
      %scan3A_201 = arith.addi %scan3A_199, %scan3A_200 : i32
      %scan3A_202 = arith.constant 1 : i32
      %scan3A_203 = scf.for %scan3A_218 = %scan3A_199 to %scan3A_201 step %scan3A_202 iter_args(%scan3A_219 = %scan3A_198) -> (i32)  : i32 {
        %mul3A_220 = arith.constant 64 : i32
        %mul3A_221 = arith.muli %scan3A_218, %mul3A_220 : i32
        %add3A_222 = arith.constant 0 : i32
        %add3A_223 = arith.addi %mul3A_221, %add3A_222 : i32
        %get3A = arith.index_cast %scan3A_218 : i32 to index
        %get3A_224 = arith.constant 0 : index
        %get3A_225 = tpu.vector_load %arg6[%get3A, %get3A_224] {strides = array<i32>} : memref<100x64xi32, #tpu.memory_space<vmem>>, vector<1x16xi32>,
        %get3A_226 = vector.shape_cast %get3A_225 : vector<1x16xi32> to vector<16xi32>
        %mul3A_227 = arith.constant 64 : i32
        %mul3A_228 = vector.broadcast %mul3A_227 : i32 to vector<16xi32>
        %mul3A_229 = arith.muli %get3A_226, %mul3A_228 : vector<16xi32>
        %add3A_230 = arith.addi %mul3A_229, %add3A_73 : vector<16xi32>
        %swap3A = arith.index_cast %add3A_223 : i32 to index
        %swap3A_231 = tpu.vector_load %arg10[%swap3A] {strides = array<i32>} : memref<6400xi32, #tpu.memory_space<vmem>>, vector<16xi32>,
        %swap3A_232 = vector.shape_cast %swap3A_231 : vector<16xi32> to vector<16xi32>
        %swap3A_233 = vector.shape_cast %add3A_230 : vector<16xi32> to vector<16xi32>
        tpu.vector_store %arg10[%swap3A], %swap3A_233 {strides = array<i32>} : memref<6400xi32, #tpu.memory_space<vmem>>, vector<16xi32>,
        %get3A_234 = arith.index_cast %scan3A_218 : i32 to index
        %get3A_235 = arith.constant 0 : index
        %get3A_236 = tpu.vector_load %arg8[%get3A_234, %get3A_235] {strides = array<i32>} : memref<100x64xf32, #tpu.memory_space<vmem>>, vector<1x16xf32>,
        %get3A_237 = vector.shape_cast %get3A_236 : vector<1x16xf32> to vector<16xf32>
        %swap3A_238 = arith.index_cast %add3A_223 : i32 to index
        %swap3A_239 = tpu.vector_load %arg12[%swap3A_238] {strides = array<i32>} : memref<6400xf32, #tpu.memory_space<vmem>>, vector<16xf32>,
        %swap3A_240 = vector.shape_cast %swap3A_239 : vector<16xf32> to vector<16xf32>
        %swap3A_241 = vector.shape_cast %get3A_237 : vector<16xf32> to vector<16xf32>
        tpu.vector_store %arg12[%swap3A_238], %swap3A_241 {strides = array<i32>} : memref<6400xf32, #tpu.memory_space<vmem>>, vector<16xf32>,
        %mul3A_242 = arith.constant 64 : i32
        %mul3A_243 = arith.muli %scan3A_218, %mul3A_242 : i32
        %add3A_244 = arith.constant 16 : i32
        %add3A_245 = arith.addi %mul3A_243, %add3A_244 : i32
        %get3A_246 = arith.index_cast %scan3A_218 : i32 to index
        %get3A_247 = arith.constant 16 : index
        %get3A_248 = tpu.vector_load %arg6[%get3A_246, %get3A_247] {strides = array<i32>} : memref<100x64xi32, #tpu.memory_space<vmem>>, vector<1x16xi32>,
        %get3A_249 = vector.shape_cast %get3A_248 : vector<1x16xi32> to vector<16xi32>
        %mul3A_250 = arith.constant 64 : i32
        %mul3A_251 = vector.broadcast %mul3A_250 : i32 to vector<16xi32>
        %mul3A_252 = arith.muli %get3A_249, %mul3A_251 : vector<16xi32>
        %add3A_253 = arith.addi %mul3A_252, %add3A_76 : vector<16xi32>
        %swap3A_254 = arith.index_cast %add3A_245 : i32 to index
        %swap3A_255 = tpu.vector_load %arg10[%swap3A_254] {strides = array<i32>} : memref<6400xi32, #tpu.memory_space<vmem>>, vector<16xi32>,
        %swap3A_256 = vector.shape_cast %swap3A_255 : vector<16xi32> to vector<16xi32>
        %swap3A_257 = vector.shape_cast %add3A_253 : vector<16xi32> to vector<16xi32>
        tpu.vector_store %arg10[%swap3A_254], %swap3A_257 {strides = array<i32>} : memref<6400xi32, #tpu.memory_space<vmem>>, vector<16xi32>,
        %get3A_258 = arith.index_cast %scan3A_218 : i32 to index
        %get3A_259 = arith.constant 16 : index
        %get3A_260 = tpu.vector_load %arg8[%get3A_258, %get3A_259] {strides = array<i32>} : memref<100x64xf32, #tpu.memory_space<vmem>>, vector<1x16xf32>,
        %get3A_261 = vector.shape_cast %get3A_260 : vector<1x16xf32> to vector<16xf32>
        %swap3A_262 = arith.index_cast %add3A_245 : i32 to index
        %swap3A_263 = tpu.vector_load %arg12[%swap3A_262] {strides = array<i32>} : memref<6400xf32, #tpu.memory_space<vmem>>, vector<16xf32>,
        %swap3A_264 = vector.shape_cast %swap3A_263 : vector<16xf32> to vector<16xf32>
        %swap3A_265 = vector.shape_cast %get3A_261 : vector<16xf32> to vector<16xf32>
        tpu.vector_store %arg12[%swap3A_262], %swap3A_265 {strides = array<i32>} : memref<6400xf32, #tpu.memory_space<vmem>>, vector<16xf32>,
        %mul3A_266 = arith.constant 64 : i32
        %mul3A_267 = arith.muli %scan3A_218, %mul3A_266 : i32
        %add3A_268 = arith.constant 32 : i32
        %add3A_269 = arith.addi %mul3A_267, %add3A_268 : i32
        %get3A_270 = arith.index_cast %scan3A_218 : i32 to index
        %get3A_271 = arith.constant 32 : index
        %get3A_272 = tpu.vector_load %arg6[%get3A_270, %get3A_271] {strides = array<i32>} : memref<100x64xi32, #tpu.memory_space<vmem>>, vector<1x16xi32>,
        %get3A_273 = vector.shape_cast %get3A_272 : vector<1x16xi32> to vector<16xi32>
        %mul3A_274 = arith.constant 64 : i32
        %mul3A_275 = vector.broadcast %mul3A_274 : i32 to vector<16xi32>
        %mul3A_276 = arith.muli %get3A_273, %mul3A_275 : vector<16xi32>
        %add3A_277 = arith.addi %mul3A_276, %add3A_79 : vector<16xi32>
        %swap3A_278 = arith.index_cast %add3A_269 : i32 to index
        %swap3A_279 = tpu.vector_load %arg10[%swap3A_278] {strides = array<i32>} : memref<6400xi32, #tpu.memory_space<vmem>>, vector<16xi32>,
        %swap3A_280 = vector.shape_cast %swap3A_279 : vector<16xi32> to vector<16xi32>
        %swap3A_281 = vector.shape_cast %add3A_277 : vector<16xi32> to vector<16xi32>
        tpu.vector_store %arg10[%swap3A_278], %swap3A_281 {strides = array<i32>} : memref<6400xi32, #tpu.memory_space<vmem>>, vector<16xi32>,
        %get3A_282 = arith.index_cast %scan3A_218 : i32 to index
        %get3A_283 = arith.constant 32 : index
        %get3A_284 = tpu.vector_load %arg8[%get3A_282, %get3A_283] {strides = array<i32>} : memref<100x64xf32, #tpu.memory_space<vmem>>, vector<1x16xf32>,
        %get3A_285 = vector.shape_cast %get3A_284 : vector<1x16xf32> to vector<16xf32>
        %swap3A_286 = arith.index_cast %add3A_269 : i32 to index
        %swap3A_287 = tpu.vector_load %arg12[%swap3A_286] {strides = array<i32>} : memref<6400xf32, #tpu.memory_space<vmem>>, vector<16xf32>,
        %swap3A_288 = vector.shape_cast %swap3A_287 : vector<16xf32> to vector<16xf32>
        %swap3A_289 = vector.shape_cast %get3A_285 : vector<16xf32> to vector<16xf32>
        tpu.vector_store %arg12[%swap3A_286], %swap3A_289 {strides = array<i32>} : memref<6400xf32, #tpu.memory_space<vmem>>, vector<16xf32>,
        %mul3A_290 = arith.constant 64 : i32
        %mul3A_291 = arith.muli %scan3A_218, %mul3A_290 : i32
        %add3A_292 = arith.constant 48 : i32
        %add3A_293 = arith.addi %mul3A_291, %add3A_292 : i32
        %get3A_294 = arith.index_cast %scan3A_218 : i32 to index
        %get3A_295 = arith.constant 48 : index
        %get3A_296 = tpu.vector_load %arg6[%get3A_294, %get3A_295] {strides = array<i32>} : memref<100x64xi32, #tpu.memory_space<vmem>>, vector<1x16xi32>,
        %get3A_297 = vector.shape_cast %get3A_296 : vector<1x16xi32> to vector<16xi32>
        %mul3A_298 = arith.constant 64 : i32
        %mul3A_299 = vector.broadcast %mul3A_298 : i32 to vector<16xi32>
        %mul3A_300 = arith.muli %get3A_297, %mul3A_299 : vector<16xi32>
        %add3A_301 = arith.addi %mul3A_300, %add3A_82 : vector<16xi32>
        %swap3A_302 = arith.index_cast %add3A_293 : i32 to index
        %swap3A_303 = tpu.vector_load %arg10[%swap3A_302] {strides = array<i32>} : memref<6400xi32, #tpu.memory_space<vmem>>, vector<16xi32>,
        %swap3A_304 = vector.shape_cast %swap3A_303 : vector<16xi32> to vector<16xi32>
        %swap3A_305 = vector.shape_cast %add3A_301 : vector<16xi32> to vector<16xi32>
        tpu.vector_store %arg10[%swap3A_302], %swap3A_305 {strides = array<i32>} : memref<6400xi32, #tpu.memory_space<vmem>>, vector<16xi32>,
        %get3A_306 = arith.index_cast %scan3A_218 : i32 to index
        %get3A_307 = arith.constant 48 : index
        %get3A_308 = tpu.vector_load %arg8[%get3A_306, %get3A_307] {strides = array<i32>} : memref<100x64xf32, #tpu.memory_space<vmem>>, vector<1x16xf32>,
        %get3A_309 = vector.shape_cast %get3A_308 : vector<1x16xf32> to vector<16xf32>
        %swap3A_310 = arith.index_cast %add3A_293 : i32 to index
        %swap3A_311 = tpu.vector_load %arg12[%swap3A_310] {strides = array<i32>} : memref<6400xf32, #tpu.memory_space<vmem>>, vector<16xf32>,
        %swap3A_312 = vector.shape_cast %swap3A_311 : vector<16xf32> to vector<16xf32>
        %swap3A_313 = vector.shape_cast %get3A_309 : vector<16xf32> to vector<16xf32>
        tpu.vector_store %arg12[%swap3A_310], %swap3A_313 {strides = array<i32>} : memref<6400xf32, #tpu.memory_space<vmem>>, vector<16xf32>,
        %scan3A_314 = arith.constant 0 : i32
        scf.yield %scan3A_314 : i32
      }
      %scan3A_204 = arith.constant 100 : i32
      %dma_start3A_205 = arith.constant 0 : i32
      %dma_start3A_206 = tpu.memref_slice %arg12[%dma_start3A_205] : memref<6400xf32, #tpu.memory_space<vmem>> -> memref<3200xf32, #tpu.memory_space<vmem>>
      %dma_start3A_207 = arith.constant 0 : i32
      %dma_start3A_208 = tpu.memref_slice %arg10[%dma_start3A_207] : memref<6400xi32, #tpu.memory_space<vmem>> -> memref<3200xi32, #tpu.memory_space<vmem>>
      %dma_start3A_209 = arith.constant 0 : i32
      %dma_start3A_210 = tpu.memref_slice %arg14[%dma_start3A_209] : memref<640000xf32, #tpu.memory_space<vmem_shared>> -> memref<640000xf32, #tpu.memory_space<vmem_shared>>
      tpu.enqueue_indirect_dma source(%dma_start3A_206 : memref<3200xf32, #tpu.memory_space<vmem>>) target(%dma_start3A_210 : memref<640000xf32, #tpu.memory_space<vmem_shared>>) offsets(%dma_start3A_208 : memref<3200xi32, #tpu.memory_space<vmem>>) semaphore(%arg20 : memref<!tpu.dma_semaphore, #tpu.memory_space<semaphore_mem>>) {add = true}
      %dma_start3A_211 = arith.constant 3200 : i32
      %dma_start3A_212 = tpu.memref_slice %arg12[%dma_start3A_211] : memref<6400xf32, #tpu.memory_space<vmem>> -> memref<3200xf32, #tpu.memory_space<vmem>>
      %dma_start3A_213 = arith.constant 3200 : i32
      %dma_start3A_214 = tpu.memref_slice %arg10[%dma_start3A_213] : memref<6400xi32, #tpu.memory_space<vmem>> -> memref<3200xi32, #tpu.memory_space<vmem>>
      %dma_start3A_215 = arith.constant 0 : i32
      %dma_start3A_216 = tpu.memref_slice %arg14[%dma_start3A_215] : memref<640000xf32, #tpu.memory_space<vmem_shared>> -> memref<640000xf32, #tpu.memory_space<vmem_shared>>
      tpu.enqueue_indirect_dma source(%dma_start3A_212 : memref<3200xf32, #tpu.memory_space<vmem>>) target(%dma_start3A_216 : memref<640000xf32, #tpu.memory_space<vmem_shared>>) offsets(%dma_start3A_214 : memref<3200xi32, #tpu.memory_space<vmem>>) semaphore(%arg22 : memref<!tpu.dma_semaphore, #tpu.memory_space<semaphore_mem>>) {add = true}
      %scan3A_217 = arith.constant 0 : i32
      scf.yield %scan3A_217 : i32
    }
    %scan3A_89 = arith.constant 100 : i32
    %dma_wait3A_90 = arith.constant 0 : i32
    %dma_wait3A_91 = tpu.memref_slice %arg11[%dma_wait3A_90] : memref<6400xf32, #tpu.memory_space<vmem>> -> memref<3200xf32, #tpu.memory_space<vmem>>
    %dma_wait3A_92 = arith.constant 0 : i32
    %dma_wait3A_93 = tpu.memref_slice %arg9[%dma_wait3A_92] : memref<6400xi32, #tpu.memory_space<vmem>> -> memref<3200xi32, #tpu.memory_space<vmem>>
    %dma_wait3A_94 = arith.constant 0 : i32
    %dma_wait3A_95 = tpu.memref_slice %arg14[%dma_wait3A_94] : memref<640000xf32, #tpu.memory_space<vmem_shared>> -> memref<640000xf32, #tpu.memory_space<vmem_shared>>
    tpu.wait_indirect_dma semaphore(%arg19 : memref<!tpu.dma_semaphore, #tpu.memory_space<semaphore_mem>>) src(%dma_wait3A_91 : memref<3200xf32, #tpu.memory_space<vmem>>) dst(%dma_wait3A_95 : memref<640000xf32, #tpu.memory_space<vmem_shared>>)
    %dma_wait3A_96 = arith.constant 3200 : i32
    %dma_wait3A_97 = tpu.memref_slice %arg11[%dma_wait3A_96] : memref<6400xf32, #tpu.memory_space<vmem>> -> memref<3200xf32, #tpu.memory_space<vmem>>
    %dma_wait3A_98 = arith.constant 3200 : i32
    %dma_wait3A_99 = tpu.memref_slice %arg9[%dma_wait3A_98] : memref<6400xi32, #tpu.memory_space<vmem>> -> memref<3200xi32, #tpu.memory_space<vmem>>
    %dma_wait3A_100 = arith.constant 0 : i32
    %dma_wait3A_101 = tpu.memref_slice %arg14[%dma_wait3A_100] : memref<640000xf32, #tpu.memory_space<vmem_shared>> -> memref<640000xf32, #tpu.memory_space<vmem_shared>>
    tpu.wait_indirect_dma semaphore(%arg21 : memref<!tpu.dma_semaphore, #tpu.memory_space<semaphore_mem>>) src(%dma_wait3A_97 : memref<3200xf32, #tpu.memory_space<vmem>>) dst(%dma_wait3A_101 : memref<640000xf32, #tpu.memory_space<vmem_shared>>)
    %dma_wait3A_102 = arith.constant 0 : i32
    %dma_wait3A_103 = tpu.memref_slice %arg12[%dma_wait3A_102] : memref<6400xf32, #tpu.memory_space<vmem>> -> memref<3200xf32, #tpu.memory_space<vmem>>
    %dma_wait3A_104 = arith.constant 0 : i32
    %dma_wait3A_105 = tpu.memref_slice %arg10[%dma_wait3A_104] : memref<6400xi32, #tpu.memory_space<vmem>> -> memref<3200xi32, #tpu.memory_space<vmem>>
    %dma_wait3A_106 = arith.constant 0 : i32
    %dma_wait3A_107 = tpu.memref_slice %arg14[%dma_wait3A_106] : memref<640000xf32, #tpu.memory_space<vmem_shared>> -> memref<640000xf32, #tpu.memory_space<vmem_shared>>
    tpu.wait_indirect_dma semaphore(%arg20 : memref<!tpu.dma_semaphore, #tpu.memory_space<semaphore_mem>>) src(%dma_wait3A_103 : memref<3200xf32, #tpu.memory_space<vmem>>) dst(%dma_wait3A_107 : memref<640000xf32, #tpu.memory_space<vmem_shared>>)
    %dma_wait3A_108 = arith.constant 3200 : i32
    %dma_wait3A_109 = tpu.memref_slice %arg12[%dma_wait3A_108] : memref<6400xf32, #tpu.memory_space<vmem>> -> memref<3200xf32, #tpu.memory_space<vmem>>
    %dma_wait3A_110 = arith.constant 3200 : i32
    %dma_wait3A_111 = tpu.memref_slice %arg10[%dma_wait3A_110] : memref<6400xi32, #tpu.memory_space<vmem>> -> memref<3200xi32, #tpu.memory_space<vmem>>
    %dma_wait3A_112 = arith.constant 0 : i32
    %dma_wait3A_113 = tpu.memref_slice %arg14[%dma_wait3A_112] : memref<640000xf32, #tpu.memory_space<vmem_shared>> -> memref<640000xf32, #tpu.memory_space<vmem_shared>>
    tpu.wait_indirect_dma semaphore(%arg22 : memref<!tpu.dma_semaphore, #tpu.memory_space<semaphore_mem>>) src(%dma_wait3A_109 : memref<3200xf32, #tpu.memory_space<vmem>>) dst(%dma_wait3A_113 : memref<640000xf32, #tpu.memory_space<vmem_shared>>)
    %barrier3A_114 = arith.constant 0 : index
    tpu.barrier barrier_id(%barrier3A_114)
    %mul3A_115 = arith.constant 625 : i32
    %mul3A_116 = arith.muli %arg1, %mul3A_115 : i32
    %scan3A_117 = arith.constant 0 : i32
    %scan3A_118 = arith.constant 0 : i32
    %scan3A_119 = arith.constant 125 : i32
    %scan3A_120 = arith.addi %scan3A_118, %scan3A_119 : i32
    %scan3A_121 = arith.constant 1 : i32
    %scan3A_122 = scf.for %scan3A_131 = %scan3A_118 to %scan3A_120 step %scan3A_121 iter_args(%scan3A_132 = %scan3A_117) -> (i32)  : i32 {
      %mul3A_133 = arith.constant 5 : i32
      %mul3A_134 = arith.muli %scan3A_131, %mul3A_133 : i32
      %add3A_135 = arith.addi %mul3A_116, %mul3A_134 : i32
      %add3A_136 = arith.constant 0 : i32
      %add3A_137 = arith.addi %add3A_135, %add3A_136 : i32
      %mul3A_138 = arith.constant 64 : i32
      %mul3A_139 = arith.muli %add3A_137, %mul3A_138 : i32
      %dma_start3A_140 = tpu.memref_slice %arg4[%add3A_137, %mul3A_0] : memref<10000x128xf32, #tpu.memory_space<hbm>> -> memref<1x64xf32, #tpu.memory_space<hbm>>
      %dma_start3A_141 = tpu.memref_squeeze %dma_start3A_140 : memref<1x64xf32, #tpu.memory_space<hbm>> -> memref<64xf32, #tpu.memory_space<hbm>>
      %dma_start3A_142 = tpu.memref_slice %arg14[%mul3A_139] : memref<640000xf32, #tpu.memory_space<vmem_shared>> -> memref<64xf32, #tpu.memory_space<vmem_shared>>
      tpu.enqueue_dma source(%dma_start3A_142 : memref<64xf32, #tpu.memory_space<vmem_shared>>) target(%dma_start3A_141 : memref<64xf32, #tpu.memory_space<hbm>>) target_semaphore(%arg23 : memref<!tpu.dma_semaphore, #tpu.memory_space<semaphore_mem>>)
      %mul3A_143 = arith.constant 5 : i32
      %mul3A_144 = arith.muli %scan3A_131, %mul3A_143 : i32
      %add3A_145 = arith.addi %mul3A_116, %mul3A_144 : i32
      %add3A_146 = arith.constant 1 : i32
      %add3A_147 = arith.addi %add3A_145, %add3A_146 : i32
      %mul3A_148 = arith.constant 64 : i32
      %mul3A_149 = arith.muli %add3A_147, %mul3A_148 : i32
      %dma_start3A_150 = tpu.memref_slice %arg4[%add3A_147, %mul3A_0] : memref<10000x128xf32, #tpu.memory_space<hbm>> -> memref<1x64xf32, #tpu.memory_space<hbm>>
      %dma_start3A_151 = tpu.memref_squeeze %dma_start3A_150 : memref<1x64xf32, #tpu.memory_space<hbm>> -> memref<64xf32, #tpu.memory_space<hbm>>
      %dma_start3A_152 = tpu.memref_slice %arg14[%mul3A_149] : memref<640000xf32, #tpu.memory_space<vmem_shared>> -> memref<64xf32, #tpu.memory_space<vmem_shared>>
      tpu.enqueue_dma source(%dma_start3A_152 : memref<64xf32, #tpu.memory_space<vmem_shared>>) target(%dma_start3A_151 : memref<64xf32, #tpu.memory_space<hbm>>) target_semaphore(%arg23 : memref<!tpu.dma_semaphore, #tpu.memory_space<semaphore_mem>>)
      %mul3A_153 = arith.constant 5 : i32
      %mul3A_154 = arith.muli %scan3A_131, %mul3A_153 : i32
      %add3A_155 = arith.addi %mul3A_116, %mul3A_154 : i32
      %add3A_156 = arith.constant 2 : i32
      %add3A_157 = arith.addi %add3A_155, %add3A_156 : i32
      %mul3A_158 = arith.constant 64 : i32
      %mul3A_159 = arith.muli %add3A_157, %mul3A_158 : i32
      %dma_start3A_160 = tpu.memref_slice %arg4[%add3A_157, %mul3A_0] : memref<10000x128xf32, #tpu.memory_space<hbm>> -> memref<1x64xf32, #tpu.memory_space<hbm>>
      %dma_start3A_161 = tpu.memref_squeeze %dma_start3A_160 : memref<1x64xf32, #tpu.memory_space<hbm>> -> memref<64xf32, #tpu.memory_space<hbm>>
      %dma_start3A_162 = tpu.memref_slice %arg14[%mul3A_159] : memref<640000xf32, #tpu.memory_space<vmem_shared>> -> memref<64xf32, #tpu.memory_space<vmem_shared>>
      tpu.enqueue_dma source(%dma_start3A_162 : memref<64xf32, #tpu.memory_space<vmem_shared>>) target(%dma_start3A_161 : memref<64xf32, #tpu.memory_space<hbm>>) target_semaphore(%arg23 : memref<!tpu.dma_semaphore, #tpu.memory_space<semaphore_mem>>)
      %mul3A_163 = arith.constant 5 : i32
      %mul3A_164 = arith.muli %scan3A_131, %mul3A_163 : i32
      %add3A_165 = arith.addi %mul3A_116, %mul3A_164 : i32
      %add3A_166 = arith.constant 3 : i32
      %add3A_167 = arith.addi %add3A_165, %add3A_166 : i32
      %mul3A_168 = arith.constant 64 : i32
      %mul3A_169 = arith.muli %add3A_167, %mul3A_168 : i32
      %dma_start3A_170 = tpu.memref_slice %arg4[%add3A_167, %mul3A_0] : memref<10000x128xf32, #tpu.memory_space<hbm>> -> memref<1x64xf32, #tpu.memory_space<hbm>>
      %dma_start3A_171 = tpu.memref_squeeze %dma_start3A_170 : memref<1x64xf32, #tpu.memory_space<hbm>> -> memref<64xf32, #tpu.memory_space<hbm>>
      %dma_start3A_172 = tpu.memref_slice %arg14[%mul3A_169] : memref<640000xf32, #tpu.memory_space<vmem_shared>> -> memref<64xf32, #tpu.memory_space<vmem_shared>>
      tpu.enqueue_dma source(%dma_start3A_172 : memref<64xf32, #tpu.memory_space<vmem_shared>>) target(%dma_start3A_171 : memref<64xf32, #tpu.memory_space<hbm>>) target_semaphore(%arg23 : memref<!tpu.dma_semaphore, #tpu.memory_space<semaphore_mem>>)
      %mul3A_173 = arith.constant 5 : i32
      %mul3A_174 = arith.muli %scan3A_131, %mul3A_173 : i32
      %add3A_175 = arith.addi %mul3A_116, %mul3A_174 : i32
      %add3A_176 = arith.constant 4 : i32
      %add3A_177 = arith.addi %add3A_175, %add3A_176 : i32
      %mul3A_178 = arith.constant 64 : i32
      %mul3A_179 = arith.muli %add3A_177, %mul3A_178 : i32
      %dma_start3A_180 = tpu.memref_slice %arg4[%add3A_177, %mul3A_0] : memref<10000x128xf32, #tpu.memory_space<hbm>> -> memref<1x64xf32, #tpu.memory_space<hbm>>
      %dma_start3A_181 = tpu.memref_squeeze %dma_start3A_180 : memref<1x64xf32, #tpu.memory_space<hbm>> -> memref<64xf32, #tpu.memory_space<hbm>>
      %dma_start3A_182 = tpu.memref_slice %arg14[%mul3A_179] : memref<640000xf32, #tpu.memory_space<vmem_shared>> -> memref<64xf32, #tpu.memory_space<vmem_shared>>
      tpu.enqueue_dma source(%dma_start3A_182 : memref<64xf32, #tpu.memory_space<vmem_shared>>) target(%dma_start3A_181 : memref<64xf32, #tpu.memory_space<hbm>>) target_semaphore(%arg23 : memref<!tpu.dma_semaphore, #tpu.memory_space<semaphore_mem>>)
      %scan3A_183 = arith.constant 0 : i32
      scf.yield %scan3A_183 : i32
    }
    %scan3A_123 = arith.constant 125 : i32
    %scan3A_124 = arith.constant 0 : i32
    %scan3A_125 = arith.constant 0 : i32
    %scan3A_126 = arith.constant 125 : i32
    %scan3A_127 = arith.addi %scan3A_125, %scan3A_126 : i32
    %scan3A_128 = arith.constant 1 : i32
    %scan3A_129 = scf.for %scan3A_131 = %scan3A_125 to %scan3A_127 step %scan3A_128 iter_args(%scan3A_132 = %scan3A_124) -> (i32)  : i32 {
      %mul3A_133 = arith.constant 5 : i32
      %mul3A_134 = arith.muli %scan3A_131, %mul3A_133 : i32
      %add3A_135 = arith.addi %mul3A_116, %mul3A_134 : i32
      %add3A_136 = arith.constant 0 : i32
      %add3A_137 = arith.addi %add3A_135, %add3A_136 : i32
      %mul3A_138 = arith.constant 64 : i32
      %mul3A_139 = arith.muli %add3A_137, %mul3A_138 : i32
      %dma_wait3A_140 = tpu.memref_slice %arg4[%add3A_137, %mul3A_0] : memref<10000x128xf32, #tpu.memory_space<hbm>> -> memref<1x64xf32, #tpu.memory_space<hbm>>
      %dma_wait3A_141 = tpu.memref_squeeze %dma_wait3A_140 : memref<1x64xf32, #tpu.memory_space<hbm>> -> memref<64xf32, #tpu.memory_space<hbm>>
      %dma_wait3A_142 = tpu.memref_slice %arg14[%mul3A_139] : memref<640000xf32, #tpu.memory_space<vmem_shared>> -> memref<64xf32, #tpu.memory_space<vmem_shared>>
      tpu.wait_dma2 semaphore(%arg23 : memref<!tpu.dma_semaphore, #tpu.memory_space<semaphore_mem>>) src(%dma_wait3A_142 : memref<64xf32, #tpu.memory_space<vmem_shared>>) dst(%dma_wait3A_141 : memref<64xf32, #tpu.memory_space<hbm>>)
      %mul3A_143 = arith.constant 5 : i32
      %mul3A_144 = arith.muli %scan3A_131, %mul3A_143 : i32
      %add3A_145 = arith.addi %mul3A_116, %mul3A_144 : i32
      %add3A_146 = arith.constant 1 : i32
      %add3A_147 = arith.addi %add3A_145, %add3A_146 : i32
      %mul3A_148 = arith.constant 64 : i32
      %mul3A_149 = arith.muli %add3A_147, %mul3A_148 : i32
      %dma_wait3A_150 = tpu.memref_slice %arg4[%add3A_147, %mul3A_0] : memref<10000x128xf32, #tpu.memory_space<hbm>> -> memref<1x64xf32, #tpu.memory_space<hbm>>
      %dma_wait3A_151 = tpu.memref_squeeze %dma_wait3A_150 : memref<1x64xf32, #tpu.memory_space<hbm>> -> memref<64xf32, #tpu.memory_space<hbm>>
      %dma_wait3A_152 = tpu.memref_slice %arg14[%mul3A_149] : memref<640000xf32, #tpu.memory_space<vmem_shared>> -> memref<64xf32, #tpu.memory_space<vmem_shared>>
      tpu.wait_dma2 semaphore(%arg23 : memref<!tpu.dma_semaphore, #tpu.memory_space<semaphore_mem>>) src(%dma_wait3A_152 : memref<64xf32, #tpu.memory_space<vmem_shared>>) dst(%dma_wait3A_151 : memref<64xf32, #tpu.memory_space<hbm>>)
      %mul3A_153 = arith.constant 5 : i32
      %mul3A_154 = arith.muli %scan3A_131, %mul3A_153 : i32
      %add3A_155 = arith.addi %mul3A_116, %mul3A_154 : i32
      %add3A_156 = arith.constant 2 : i32
      %add3A_157 = arith.addi %add3A_155, %add3A_156 : i32
      %mul3A_158 = arith.constant 64 : i32
      %mul3A_159 = arith.muli %add3A_157, %mul3A_158 : i32
      %dma_wait3A_160 = tpu.memref_slice %arg4[%add3A_157, %mul3A_0] : memref<10000x128xf32, #tpu.memory_space<hbm>> -> memref<1x64xf32, #tpu.memory_space<hbm>>
      %dma_wait3A_161 = tpu.memref_squeeze %dma_wait3A_160 : memref<1x64xf32, #tpu.memory_space<hbm>> -> memref<64xf32, #tpu.memory_space<hbm>>
      %dma_wait3A_162 = tpu.memref_slice %arg14[%mul3A_159] : memref<640000xf32, #tpu.memory_space<vmem_shared>> -> memref<64xf32, #tpu.memory_space<vmem_shared>>
      tpu.wait_dma2 semaphore(%arg23 : memref<!tpu.dma_semaphore, #tpu.memory_space<semaphore_mem>>) src(%dma_wait3A_162 : memref<64xf32, #tpu.memory_space<vmem_shared>>) dst(%dma_wait3A_161 : memref<64xf32, #tpu.memory_space<hbm>>)
      %mul3A_163 = arith.constant 5 : i32
      %mul3A_164 = arith.muli %scan3A_131, %mul3A_163 : i32
      %add3A_165 = arith.addi %mul3A_116, %mul3A_164 : i32
      %add3A_166 = arith.constant 3 : i32
      %add3A_167 = arith.addi %add3A_165, %add3A_166 : i32
      %mul3A_168 = arith.constant 64 : i32
      %mul3A_169 = arith.muli %add3A_167, %mul3A_168 : i32
      %dma_wait3A_170 = tpu.memref_slice %arg4[%add3A_167, %mul3A_0] : memref<10000x128xf32, #tpu.memory_space<hbm>> -> memref<1x64xf32, #tpu.memory_space<hbm>>
      %dma_wait3A_171 = tpu.memref_squeeze %dma_wait3A_170 : memref<1x64xf32, #tpu.memory_space<hbm>> -> memref<64xf32, #tpu.memory_space<hbm>>
      %dma_wait3A_172 = tpu.memref_slice %arg14[%mul3A_169] : memref<640000xf32, #tpu.memory_space<vmem_shared>> -> memref<64xf32, #tpu.memory_space<vmem_shared>>
      tpu.wait_dma2 semaphore(%arg23 : memref<!tpu.dma_semaphore, #tpu.memory_space<semaphore_mem>>) src(%dma_wait3A_172 : memref<64xf32, #tpu.memory_space<vmem_shared>>) dst(%dma_wait3A_171 : memref<64xf32, #tpu.memory_space<hbm>>)
      %mul3A_173 = arith.constant 5 : i32
      %mul3A_174 = arith.muli %scan3A_131, %mul3A_173 : i32
      %add3A_175 = arith.addi %mul3A_116, %mul3A_174 : i32
      %add3A_176 = arith.constant 4 : i32
      %add3A_177 = arith.addi %add3A_175, %add3A_176 : i32
      %mul3A_178 = arith.constant 64 : i32
      %mul3A_179 = arith.muli %add3A_177, %mul3A_178 : i32
      %dma_wait3A_180 = tpu.memref_slice %arg4[%add3A_177, %mul3A_0] : memref<10000x128xf32, #tpu.memory_space<hbm>> -> memref<1x64xf32, #tpu.memory_space<hbm>>
      %dma_wait3A_181 = tpu.memref_squeeze %dma_wait3A_180 : memref<1x64xf32, #tpu.memory_space<hbm>> -> memref<64xf32, #tpu.memory_space<hbm>>
      %dma_wait3A_182 = tpu.memref_slice %arg14[%mul3A_179] : memref<640000xf32, #tpu.memory_space<vmem_shared>> -> memref<64xf32, #tpu.memory_space<vmem_shared>>
      tpu.wait_dma2 semaphore(%arg23 : memref<!tpu.dma_semaphore, #tpu.memory_space<semaphore_mem>>) src(%dma_wait3A_182 : memref<64xf32, #tpu.memory_space<vmem_shared>>) dst(%dma_wait3A_181 : memref<64xf32, #tpu.memory_space<hbm>>)
      %scan3A_183 = arith.constant 0 : i32
      scf.yield %scan3A_183 : i32
    }
    %scan3A_130 = arith.constant 125 : i32
    return
  }
}

</mosaic_0001>

<sc_bundles>
// kernel: _run.3.cloned.1.call-start
scs
__scs_entry_jumppad:
0x0: {  	(pc) =	sbr.rel $0x88, $3  }
0x1: {  	(tag) =	ssettag $0x0;
	lr =	simm.s32 $0x1  }
0x2: {  	[smem:$0x3F9F] =	sst lr;
	_ =	strace $0xD0000000  }
0x3: {  	_ = 	snop  }
0x4: {  	_ = 	snop  }
0x5: {  	_ = 	snop  }
0x6: {  	_ = 	snop  }
0x7: {  	_ = 	snop  }
__scs_overlays_trampoline_lowered:
0x8: {  	[smem:$0x3FAE] =	sst s0  }
0x9: {  	[smem:$0x3FAF] =	sst s1  }
0xa: {  	[smem:$0x3FB0] =	sst s2  }
0xb: {  	[smem:$0x3FB1] =	sst s3  }
0xc: {  	[smem:$0x3FB2] =	sst s4  }
0xd: {  	[smem:$0x3FB3] =	sst s5  }
0xe: {  	[smem:$0x3FB4] =	sst s6  }
0xf: {  	[smem:$0x3FB5] =	sst s7  }
0x10: {  	[smem:$0x3FB6] =	sst s8  }
0x11: {  	[smem:$0x3FB7] =	sst s9;
	s0 =	simm.s32 @!p0 $0x0  }
0x12: {  	s1 =	sld [smem:$0x3F9D];
	s0 =	simm.s32 @p0 $0x1  }
0x13: {  	[smem:$0x3FB8] =	sst s0;
	s0 =	simm.s32 @!p1 $0x0  }
0x14: {  	s2 =	sld [smem:$0x3F9C];
	s0 =	simm.s32 @p1 $0x1  }
0x15: {  	[smem:$0x3FB9] =	sst s0;
	s0 =	simm.s32 @!p2 $0x0  }
0x16: {  	s3 =	sld [smem:$0x3FDB];
	s0 =	simm.s32 @p2 $0x1  }
0x17: {  	s4 =	simm.s32 $0x1BF5;
	[smem:$0x3FBB] =	sst s0  }
0x18: {  	s0 =	sld [smem:$0x3F9E];
	_ =	swait.ge [sflag:s4], $0x0  }
0x19: {  	s7 =	sld [smem:$0x3F9F]  }
0x1a: {  	s8 =	sadd.s32 $0xFFFFE003, lr  }
0x1b: {  	s9 =	sadd.s32 $0xFFFFFEF7, lr;
	s5 =	simm.s32 $0xFFFFFFFF;
	p2 =	slt.u32 s8, $0xFFFFF086  }
0x1c: {  	p1 =	slt.u32 s9, $0xF7A;
	s5 =	simm.s32 @!p2 $0x0  }
0x1d: {  	s5 =	simm.s32 @p1 $0x1;
	p0 =	seq.s32 s7, s2  }
0x1e: {  	s7 =	smul.u32 @!p0 $0xF7A, s2;
	p2 =	seq.s32 @!p0 s5, $0x0  }
0x1f: {  	s9 =	smul.u32 $0xF7A, s1;
	s8 =	simm.s32 @!p0 $0x1BF5;
	p2 =	por !p2, p0  }
0x20: {  	[sflag:s8] =	ssyncset.s32 @!p0 $0xFFFFF086;
	s6 =	sadd.s32 @!p0 s3, s7;
	s7 =	simm.s32 @!p0 $0x108  }
0x21: {  	s3 =	sadd.s32 s3, s9;
	s6 =	sadd.s32 @!p0 $0x88, s6;
	s7 =	simm.s32 @p2 $0x1082  }
0x22: {  	[simem:s7], [sflag:s8] =	dma.local @!p0 [hbm:s6], $0xF7A  }
0x23: {  	s9 =	sor.u32 $0xD0000000, s2;
	s6 =	simm.s32 $0x108;
	_ =	swait.ge @!p0 [sflag:s8], $0x0  }
0x24: {  	s3 =	sadd.s32 $0x88, s3;
	s6 =	simm.s32 @!p1 $0x1082;
	[sflag:s4] =	ssyncset.s32 $0xFFFFF086  }
0x25: {  	[simem:s6], [sflag:s4] =	dma.local [hbm:s3], $0xF7A  }
0x26: {  	[smem:$0x3F9F] =	sst s1;
	(tag) =	ssettag s2;
	_ =	strace s9  }
0x27: {  	s1 =	sld [smem:$0x3FAF]  }
0x28: {  	s2 =	sld [smem:$0x3FB0]  }
0x29: {  	s4 =	sld [smem:$0x3FB2]  }
0x2a: {  	p0 =	seq.s32 s5, $0x0;
	s5 =	sld [smem:$0x3FB3]  }
0x2b: {  	s6 =	sld [smem:$0x3FB4]  }
0x2c: {  	s7 =	sld [smem:$0x3FB5]  }
0x2d: {  	s3 =	simm.s32 $0x108;
	s8 =	sld [smem:$0x3FB6]  }
0x2e: {  	s3 =	simm.s32 @!p0 $0x1082;
	s9 =	sld [smem:$0x3FB7]  }
0x2f: {  	lr =	sadd.s32 s0, s3;
	s0 =	sld [smem:$0x3FAE]  }
0x30: {  	s3 =	sld [smem:$0x3FB1]  }
0x31: {  	[smem:$0x3FBA] =	sst s10  }
0x32: {  	s10 =	sld [smem:$0x3FB8];
	_ =	sdelay $0x3  }
0x33: {  	p0 =	seq.s32 s10, $0x1;
	s10 =	sld [smem:$0x3FBA];
	_ =	sdelay $0x3  }
0x34: {  	[smem:$0x3FBA] =	sst s10  }
0x35: {  	s10 =	sld [smem:$0x3FB9];
	_ =	sdelay $0x3  }
0x36: {  	p1 =	seq.s32 s10, $0x1;
	s10 =	sld [smem:$0x3FBA];
	_ =	sdelay $0x3  }
0x37: {  	[smem:$0x3FBA] =	sst s10  }
0x38: {  	s10 =	sld [smem:$0x3FBB]  }
0x39: {  	_ = 	snop;
	(pc) =	sbr.ind lr, $3  }
0x3a: {  	_ = 	snop  }
0x3b: {  	_ = 	snop  }
0x3c: {  	p2 =	seq.s32 s10, $0x1;
	s10 =	sld [smem:$0x3FBA]  }
0x3d: {  	_ =	shalt  }
0x3e: {  	_ =	shalt  }
0x3f: {  	_ =	shalt  }
0x40: {  	_ =	shalt  }
0x41: {  	_ =	shalt  }
0x42: {  	_ =	shalt  }
0x43: {  	_ =	shalt  }
0x44: {  	_ =	shalt  }
0x45: {  	_ =	shalt  }
0x46: {  	_ =	shalt  }
0x47: {  	_ =	shalt  }
0x48: {  	_ =	shalt  }
0x49: {  	_ =	shalt  }
0x4a: {  	_ =	shalt  }
0x4b: {  	_ =	shalt  }
0x4c: {  	_ =	shalt  }
0x4d: {  	_ =	shalt  }
0x4e: {  	_ =	shalt  }
0x4f: {  	_ =	shalt  }
0x50: {  	_ =	shalt  }
0x51: {  	_ =	shalt  }
0x52: {  	_ =	shalt  }
0x53: {  	_ =	shalt  }
0x54: {  	_ =	shalt  }
0x55: {  	_ =	shalt  }
0x56: {  	_ =	shalt  }
0x57: {  	_ =	shalt  }
0x58: {  	_ =	shalt  }
0x59: {  	_ =	shalt  }
0x5a: {  	_ =	shalt  }
0x5b: {  	_ =	shalt  }
0x5c: {  	_ =	shalt  }
0x5d: {  	_ =	shalt  }
0x5e: {  	_ =	shalt  }
0x5f: {  	_ =	shalt  }
0x60: {  	_ =	shalt  }
0x61: {  	_ =	shalt  }
0x62: {  	_ =	shalt  }
0x63: {  	_ =	shalt  }
0x64: {  	_ =	shalt  }
0x65: {  	_ =	shalt  }
0x66: {  	_ =	shalt  }
0x67: {  	_ =	shalt  }
0x68: {  	_ =	shalt  }
0x69: {  	_ =	shalt  }
0x6a: {  	_ =	shalt  }
0x6b: {  	_ =	shalt  }
0x6c: {  	_ =	shalt  }
0x6d: {  	_ =	shalt  }
0x6e: {  	_ =	shalt  }
0x6f: {  	_ =	shalt  }
0x70: {  	_ =	shalt  }
0x71: {  	_ =	shalt  }
0x72: {  	_ =	shalt  }
0x73: {  	_ =	shalt  }
0x74: {  	_ =	shalt  }
0x75: {  	_ =	shalt  }
0x76: {  	_ =	shalt  }
0x77: {  	_ =	shalt  }
0x78: {  	_ =	shalt  }
0x79: {  	_ =	shalt  }
0x7a: {  	_ =	shalt  }
0x7b: {  	_ =	shalt  }
0x7c: {  	_ =	shalt  }
0x7d: {  	_ =	shalt  }
0x7e: {  	_ =	shalt  }
0x7f: {  	_ =	shalt  }
0x80: {  	_ =	shalt  }
0x81: {  	_ =	shalt  }
0x82: {  	_ =	shalt  }
0x83: {  	_ =	shalt  }
0x84: {  	_ =	shalt  }
0x85: {  	_ =	shalt  }
0x86: {  	_ =	shalt  }
0x87: {  	_ =	shalt  }
.Lfunc_end0:
.L_simem_size_0:
called_computation.1_lowered:
.L_overlay_start_0:
0x88: {  	s2 =	sld [smem:$0x3FD9]  }
0x89: {  	s3 =	sld [smem:$0x3FFE];
	_ =	sdelay $0x1  }
0x8a: {  	s1 =	srdreg.scid  }
0x8b: {  	s0 =	sand.u32 $0x1, s1  }
0x8c: {  	s17 =	sshll.u32 s0, $0xA;
	s2 =	sadd.s32 s3, s2  }
0x8d: {  	s2 =	sadd.s32 s2, s17  }
0x8e: {  	[smem:$0x3FC6] =	sst s2  }
0x8f: {  	_ = 	snop  }
0x90: {  	s2 =	sld [smem:$0x3FC8]  }
0x91: {  	s18 =	sld [smem:$0x3FD0];
	(tm) =	ssettm $0x1  }
0x92: {  	s4 =	sld [smem:$0x3FFB];
	_ =	sdelay $0x3  }
0x93: {  	_ =	strace s4  }
0x94: {  	s4 =	sld [smem:$0x3FFC];
	_ =	sdelay $0x3  }
0x95: {  	_ =	strace s4  }
0x96: {  	s4 =	sld [smem:$0x3FFD];
	_ =	sdelay $0x3  }
0x97: {  	_ =	strace s4  }
0x98: {  	_ =	strace $0x8FFFFFFF  }
0x99: {  	s19 =	sld [smem:$0x3FDB];
	_ =	sdelay $0x1  }
0x9a: {  	s5 =	simm.s32 $_scs_section_size  }
0x9b: {  	s6 =	simm.s32 $_size__tile_overlayer_lowered;
	s7 =	simm.s32 $_tile_overlayer_lowered  }
0x9c: {  	s22 =	simm.s32 $0x1BFF;
	s21 =	sshll.u32 s7, $0x1;
	s4 =	sadd.s32 s5, s19  }
0x9d: {  	s8 =	simm.s32 $0x0;
	s20 =	sshll.u32 s6, $0x1;
	s6 =	sadd.s32 s21, s4  }
0x9e: {  	[timem:s8], [sflag:s22] =	dma.local [hbm:s6], s20  }
0x9f: {  	_ =	swait.ge [sflag:s22], s20  }
0xa0: {  	s5 =	ssub.s32 $0x0, s20;
	[sflag:s22] =	ssyncset.done $0x0  }
0xa1: {  	[sflag:s22] =	ssyncadd.s32 s5;
	_ =	sdelay $0x1  }
0xa2: {  	s23 =	simm.s32 $0x1B8B  }
0xa3: {  	_ =	swait.ge [sflag:s23], $0x1  }
0xa4: {  	[sflag:s23] =	ssyncset.done $0x0  }
0xa5: {  	s25 =	simm.s32 $0x1B8E;
	s24 =	sld [smem:$0x3FFE];
	[sflag:s23] =	ssyncadd.s32 $0xFFFFFFFF  }
0xa6: {  	s26 =	simm.s32 $execute0_lowered;
	[smem:$0x3FD2] =	sst s25  }
0xa7: {  	s6 =	sshll.u32 s26, $0x1;
	_ =	strace $0x80000049;
	[dreg:$0x1] =	wrdreg $0xFFFFFFFF  }
0xa8: {  	s28 =	simm.s32 $_size_execute0_lowered;
	s4 =	sadd.s32 s4, s6;
	[dreg:$0x0] =	wrdreg $0x0  }
0xa9: {  	s6 =	sshll.u32 s28, $0x1;
	[dreg:$0x2] =	wrdreg s4  }
0xaa: {  	[dreg:$0x3] =	wrdreg s6  }
0xab: {  	[dreg:$0x4] =	wrdreg $0xC0  }
0xac: {  	_ =	task [dreg:s8], $0x5FFFF  }
0xad: {  	[dreg:$0x1] =	wrdreg $0xFFFFFFFF  }
0xae: {  	[dreg:$0x0] =	wrdreg $0x60  }
0xaf: {  	[dreg:$0x2] =	wrdreg s24  }
0xb0: {  	[dreg:$0x3] =	wrdreg s2  }
0xb1: {  	[dreg:$0x4] =	wrdreg s18  }
0xb2: {  	[dreg:$0x5] =	wrdreg $0xE7400  }
0xb3: {  	[dreg:$0x6] =	wrdreg $0x9  }
0xb4: {  	_ =	task.clear_ibuf [dreg:s8], $0x7FFFF;
	_ =	strace $0x90000049  }
0xb5: {  	s29 =	simm.s32 $0x9;
	_ =	strace $0x8000004B  }
0xb6: {  	_ =	swait.ge [sflag:s29], $0x1  }
0xb7: {  	[sflag:s29] =	ssyncadd.s32 $0xFFFFFFFF  }
0xb8: {  	_ =	strace $0x9000004B  }
0xb9: {  	_ =	sfence  }
0xba: {  	s30 =	sld [smem:$0x0];
	_ =	sdelay $0x2  }
0xbb: {  	s31 =	sshll.u32 s1, $0xD;
	s1 =	sshrl.u32 s1, $0x2  }
0xbc: {  	s3 =	sand.u32 $0x4000, s31;
	s1 =	sadd.s32 s1, s30  }
0xbd: {  	s0 =	sor.u32 s3, s0;
	s1 =	sshll.u32 s1, $0x11  }
0xbe: {  	s0 =	sor.u32 s1, s0  }
0xbf: {  	s0 =	sadd.s32 $0x8F2B, s0  }
0xc0: {  	[sflag:s0] =	ssyncadd.remote.s32 $0x1  }
0xc1: {  	_ =	sfence.sel $0xFFFF  }
0xc2: {  	[dreg:$0x0] =	wrdreg $0xFFFFFFFF;
	(pc) =	sbr.abs _section_cstart, $3  }
0xc3: {  	[dreg:$0x1] =	wrdreg $0xFFFFFFFF  }
0xc4: {  	_ =	task.clear_ibuf [dreg:s8], $0x2FFFF;
	_ =	strace $0x9FFFFFFF  }
0xc5: {  	(tm) =	ssettm $0x7FFFFFFF  }
tec
execute0_lowered:
.L_overlay_start_1:
0x0: {  	(tag) =	ssettag $0x1  }
0x1: {  	s0 =	rddreg [dreg:$0x0]  }
0x2: {  	s1 =	rddreg [dreg:$0x1]  }
0x3: {  	s3 =	rddreg [dreg:$0x2]  }
0x4: {  	s2 =	rddreg [dreg:$0x3]  }
0x5: {  	s4 =	simm.s32 $0x0;
	s9 =	srdreg.scid;
	s11 =	stileid.u32  }
0x6: {  	s28 =	simm.s32 $0x9;
	s31 =	simm.s32 $0x1;
	s7 =	smul.u32 $0x4E2000, s11  }
0x7: {  	s29 =	simm.s32 $0xA280;
	s30 =	simm.s32 $0x7D00;
	s12 =	smul.u32 $0x271000, s11  }
0x8: {  	[smem:$0x7FF] =	sst s4;
	s4 =	sand.u32 $0x1, s9;
	s13 =	smul.u32 $0x27100, s11  }
0x9: {  	s5 =	sadd.s32 $0x800, s0;
	s15 =	smul.u32 $0x13880, s11;
	s10 =	ssub.s32 $0x2, s4  }
0xa: {  	_ =	strace $0x8000004A;
	s6 =	sshll.u32 s4, $0x6;
	s8 =	sshrl.u32 s10, $0x1  }
0xb: {  	s7 =	sor.u32 s6, s7;
	s4 =	sor.u32 s6, s12;
	s14 =	sshrl.u32 s13, $0x2  }
0xc: {  	s12 =	simm.s32 $0x100;
	s13 =	simm.s32 $0x80;
	s7 =	sshrl.u32 s7, $0x3  }
0xd: {  	s0 =	ssub.s32 s10, s8;
	s4 =	sshrl.u32 s4, $0x3;
	s7 =	sadd.s32 s5, s7  }
0xe: {  	s9 =	sadd.s32 s14, s2;
	s4 =	sadd.s32 s1, s4;
	[dreg:$0x5] =	wrdreg s7  }
0xf: {  	s10 =	smul.u32 $0x4E20, s11;
	s16 =	sadd.s32 $0x3E80, s9;
	[dreg:$0x6] =	wrdreg s4  }
0x10: {  	s11 =	simm.s32 $0x4;
	s17 =	sadd.s32 $0x5DC0, s9;
	[dreg:$0x8] =	wrdreg s16  }
0x11: {  	s18 =	sadd.s32 $0x7D00, s9;
	s0 =	smax.u32 s0, $0x1;
	[dreg:$0x9] =	wrdreg s17  }
0x12: {  	s7 =	sadd.s32 $0x1F40, s9;
	[dreg:$0xa] =	wrdreg s18;
	s14 =	sadd.s32 $0x64, s10  }
0x13: {  	s4 =	sor.u32 s6, s15;
	s15 =	sadd.s32 $0xC8, s10;
	[dreg:$0xb] =	wrdreg s0  }
0x14: {  	s16 =	simm.s32 $0x1900;
	s17 =	simm.s32 $0x4B00;
	s10 =	simm.s32 $0x2  }
0x15: {  	[dreg:$0x7] =	wrdreg s7;
	s19 =	sshrl.u32 s4, $0x3;
	s20 =	sadd.s32 $0x200, s4  }
0x16: {  	s23 =	sadd.s32 $0x180, s4;
	s24 =	sadd.s32 $0x100, s4;
	s4 =	sadd.s32 $0x80, s4  }
0x17: {  	s21 =	sadd.s32 s19, s3;
	s22 =	sshrl.u32 s20, $0x3;
	s7 =	sshrl.u32 s24, $0x3  }
0x18: {  	s26 =	sshrl.u32 s4, $0x3;
	s4 =	simm.s32 $0xC80;
	s24 =	simm.s32 $0x9600  }
0x19: {  	[dreg:$0xc] =	wrdreg s21;
	s0 =	sadd.s32 s22, s3;
	s25 =	sadd.s32 s7, s3  }
0x1a: {  	s22 =	simm.s32 $0x40;
	[dreg:$0xd] =	wrdreg s0;
	s0 =	sshrl.u32 s23, $0x3  }
0x1b: {  	s7 =	simm.s32 $0x0;
	[dreg:$0xf] =	wrdreg s25;
	s0 =	sadd.s32 s0, s3  }
0x1c: {  	v0 =	vimm.f32 $0.0e+00;
	v1 =	vlaneseq.u32;
	s23 =	simm.s32 $0x6400;
	[dreg:$0xe] =	wrdreg s0;
	s0 =	sadd.s32 s26, s3  }
0x1d: {  	v2 =	vor.u32 $0x10, v1;
	v3 =	vor.u32 $0x20, v1;
	v4 =	vor.u32 $0x30, v1;
	s25 =	simm.s32 $0x7080;
	[dreg:$0x10] =	wrdreg s0;
	s0 =	simm.s32 $0x3  }
.LBB2_1:
0x1e: {  	[dreg:$0x11] =	wrdreg s7  }
0x1f: {  	s20 =	rddreg [dreg:$0x5]  }
0x20: {  	s3 =	simm.s32 $0x0;
	s21 =	rddreg [dreg:$0x6]  }
0x21: {  	[tilespmem:s3], [sflag:$0x1] =	stream.strided.gather [hbm4b:s20+s22], $0x1900, s12, s22, $0x38;
	[tilespmem:$0x18380] =	vst v63  }
0x22: {  	s26 =	simm.s32 $0x3200;
	s7 =	simm.s32 $0x0;
	s3 =	simm.s32 $0x40  }
0x23: {  	[tilespmem:s26], [sflag:$0x3] =	stream.strided.gather [hbm4b:s21+s22], $0x1900, s13, s22, $0x38;
	[tilespmem:$0x18380] =	vst v63  }
.LBB2_2:
0x24: {  	p0 =	sne.s32 s3, $0x7CC0;
	[tilespmem:s7+$0xC800] =	vst v0;
	s7 =	smov.u32 s3;
	s3 =	sadd.s32 $0x40, s3  }
.Ltmp0:
0x25: {  	(pc) =	sbr.rel @p0 .LBB2_2-.Ltmp0, $2  }
0x26: {  	_ =	sdelay $0x2  }
0x27: {  	s7 =	sshra.s32 s7, $0x2  }
0x28: {  	[tilespmem:s7+$0xC800] =	vst v0;
	s19 =	simm.s32 $0xC800  }
0x29: {  	[spmem:s9] =	stream.linear.scatter [tilespmem:s19], [sflag:$0x9], $0x1F40, $0x38;
	[tilespmem:$0x18380] =	vst v63  }
0x2a: {  	s3 =	rddreg [dreg:$0x7]  }
0x2b: {  	[spmem:s3] =	stream.linear.scatter [tilespmem:s19], [sflag:$0x9], $0x1F40, $0x38;
	[tilespmem:$0x18380] =	vst v63  }
0x2c: {  	s20 =	rddreg [dreg:$0x8]  }
0x2d: {  	[spmem:s20] =	stream.linear.scatter [tilespmem:s19], [sflag:$0x9], $0x1F40, $0x38;
	[tilespmem:$0x18380] =	vst v63  }
0x2e: {  	s21 =	rddreg [dreg:$0x9]  }
0x2f: {  	[spmem:s21] =	stream.linear.scatter [tilespmem:s19], [sflag:$0x9], $0x1F40, $0x38;
	[tilespmem:$0x18380] =	vst v63  }
0x30: {  	s26 =	rddreg [dreg:$0xa]  }
0x31: {  	[spmem:s26] =	stream.linear.scatter [tilespmem:s19], [sflag:$0x9], $0x1F40, $0x38;
	[tilespmem:$0x18380] =	vst v63  }
0x32: {  	_ =	swait.ge [sflag:s28], $0x1F40  }
0x33: {  	[sflag:s28] =	ssyncset.done $0x0  }
0x34: {  	[sflag:s28] =	ssyncadd.s32 $0xFFFFE0C0  }
0x35: {  	_ =	swait.ge [sflag:s28], $0x1F40  }
0x36: {  	[sflag:s28] =	ssyncset.done $0x0  }
0x37: {  	[sflag:s28] =	ssyncadd.s32 $0xFFFFE0C0  }
0x38: {  	_ =	swait.ge [sflag:s28], $0x1F40  }
0x39: {  	[sflag:s28] =	ssyncset.done $0x0  }
0x3a: {  	[sflag:s28] =	ssyncadd.s32 $0xFFFFE0C0  }
0x3b: {  	_ =	swait.ge [sflag:s28], $0x1F40  }
0x3c: {  	[sflag:s28] =	ssyncset.done $0x0  }
0x3d: {  	[sflag:s28] =	ssyncadd.s32 $0xFFFFE0C0  }
0x3e: {  	_ =	swait.ge [sflag:s28], $0x1F40  }
0x3f: {  	[sflag:s28] =	ssyncset.done $0x0  }
0x40: {  	[sflag:s28] =	ssyncadd.s32 $0xFFFFE0C0  }
0x41: {  	s21 =	simm.s32 $0x0;
	[bflag:$0x0] =	sbarrier.arrive $0xFFFF  }
.LBB2_4:
0x42: {  	s19 =	smul.u32 $0xC8, s21;
	_ =	sdelay $0x1  }
0x43: {  	s3 =	sadd.s32 s19, s14  }
0x44: {  	s7 =	sshll.u32 s3, $0x8  }
0x45: {  	s3 =	sshll.u32 s3, $0x7;
	s7 =	sor.u32 s6, s7  }
0x46: {  	s3 =	sor.u32 s6, s3;
	s7 =	sshrl.u32 s7, $0x3  }
0x47: {  	s3 =	sshrl.u32 s3, $0x3;
	s7 =	sadd.s32 s5, s7  }
0x48: {  	[tilespmem:s16], [sflag:$0x2] =	stream.strided.gather [hbm4b:s7+s22], $0x1900, s12, s22, $0x38;
	[tilespmem:$0x18380] =	vst v63  }
0x49: {  	s3 =	sadd.s32 s1, s3  }
0x4a: {  	[tilespmem:s17], [sflag:$0x4] =	stream.strided.gather [hbm4b:s3+s22], $0x1900, s13, s22, $0x38;
	[tilespmem:$0x18380] =	vst v63  }
0x4b: {  	_ =	swait.ge [sflag:s31], $0x1900  }
0x4c: {  	[sflag:s31] =	ssyncset.done $0x0  }
0x4d: {  	[sflag:s31] =	ssyncadd.s32 $0xFFFFE700  }
0x4e: {  	_ =	swait.ge [sflag:s0], $0x1900  }
0x4f: {  	p0 =	seq.s32 s21, $0x0;
	[sflag:s0] =	ssyncset.done $0x0  }
0x50: {  	s3 =	simm.s32 @!p0 $0x5;
	[sflag:s0] =	ssyncadd.s32 $0xFFFFE700  }
0x51: {  	_ =	swait.ge @!p0 [sflag:s3], $0xC80  }
0x52: {  	[sflag:s3] =	ssyncset.done @!p0 $0x0  }
0x53: {  	[sflag:s3] =	ssyncadd.s32 @!p0 $0xFFFFF380;
	s3 =	simm.s32 @!p0 $0x7  }
0x54: {  	_ =	swait.ge @!p0 [sflag:s3], $0xC80  }
0x55: {  	[sflag:s3] =	ssyncset.done @!p0 $0x0  }
0x56: {  	s26 =	simm.s32 $0x0;
	[sflag:s3] =	ssyncadd.s32 @!p0 $0xFFFFF380  }
0x57: {  	v7 =	vld [tilespmem:s26+$0x30]  }
0x58: {  	v8 =	vld [tilespmem:s26+$0x0]  }
0x59: {  	v11 =	vld [tilespmem:s26+$0x10]  }
0x5a: {  	v9 =	vld [tilespmem:s26+$0x20]  }
0x5b: {  	v6 =	vld [tilespmem:s26+$0x3200]  }
0x5c: {  	v5 =	vld [tilespmem:s26+$0x3210];
	v10 =	vshll.u32 v7, $0x6  }
0x5d: {  	v7 =	vld [tilespmem:s26+$0x3220];
	v8 =	vshll.u32 v8, $0x6;
	v10 =	vor.u32 v4, v10  }
0x5e: {  	s20 =	simm.s32 $0x40;
	s3 =	simm.s32 $0x200;
	v11 =	vshll.u32 v11, $0x6;
	[tilespmem:s26+$0x6430] =	vst v10;
	v10 =	vor.u32 v1, v8;
	v8 =	vld [tilespmem:s26+$0x3230]  }
.LBB2_5:
0x5f: {  	p1 =	sne.s32 s3, $0x6300;
	v12 =	vld [tilespmem:s20+$0x30];
	[tilespmem:s26+$0x6400] =	vst v10;
	v10 =	vor.u32 v2, v11;
	v9 =	vshll.u32 v9, $0x6  }
0x60: {  	v11 =	vld [tilespmem:s20+$0x0];
	[tilespmem:s26+$0x6410] =	vst v10;
	v9 =	vor.u32 v3, v9  }
0x61: {  	v13 =	vld [tilespmem:s20+$0x10];
	[tilespmem:s26+$0x6420] =	vst v9  }
.Ltmp1:
0x62: {  	v9 =	vld [tilespmem:s20+$0x20];
	[tilespmem:s26+$0x9600] =	vst v6;
	(pc) =	sbr.rel @p1 .LBB2_5-.Ltmp1, $4  }
0x63: {  	v6 =	vld [tilespmem:s20+$0x3200];
	[tilespmem:s26+$0x9610] =	vst v5  }
0x64: {  	v5 =	vld [tilespmem:s20+$0x3210];
	v10 =	vshll.u32 v12, $0x6;
	[tilespmem:s26+$0x9620] =	vst v7  }
0x65: {  	v11 =	vshll.u32 v11, $0x6;
	v7 =	vld [tilespmem:s20+$0x3220];
	v12 =	vor.u32 v4, v10;
	[tilespmem:s26+$0x9630] =	vst v8;
	s26 =	smov.u32 s20  }
0x66: {  	s20 =	sshra.s32 s3, $0x2;
	s3 =	sadd.s32 $0x100, s3;
	v10 =	vor.u32 v1, v11;
	v11 =	vshll.u32 v13, $0x6;
	[tilespmem:s26+$0x6430] =	vst v12;
	v8 =	vld [tilespmem:s26+$0x3230]  }
0x67: {  	v12 =	vld [tilespmem:s20+$0x30];
	[tilespmem:s26+$0x6400] =	vst v10;
	v10 =	vor.u32 v2, v11;
	v9 =	vshll.u32 v9, $0x6  }
0x68: {  	v11 =	vld [tilespmem:s20+$0x0];
	[tilespmem:s26+$0x6410] =	vst v10;
	v9 =	vor.u32 v3, v9  }
0x69: {  	v10 =	vld [tilespmem:s20+$0x10];
	[tilespmem:s26+$0x6420] =	vst v9  }
0x6a: {  	v9 =	vld [tilespmem:s20+$0x20];
	[tilespmem:s26+$0x9600] =	vst v6  }
0x6b: {  	v6 =	vld [tilespmem:s20+$0x3200];
	[tilespmem:s26+$0x9610] =	vst v5  }
0x6c: {  	v5 =	vld [tilespmem:s20+$0x3210];
	[tilespmem:s26+$0x9620] =	vst v7;
	v7 =	vshll.u32 v12, $0x6  }
0x6d: {  	v63 =	vld [tilespmem:s20+$0x3220];
	v7 =	vor.u32 v4, v7;
	[tilespmem:s26+$0x9630] =	vst v8;
	v8 =	vshll.u32 v11, $0x6  }
0x6e: {  	[tilespmem:s20+$0x6430] =	vst v7;
	v7 =	vor.u32 v1, v8;
	v8 =	vshll.u32 v10, $0x6  }
0x6f: {  	[tilespmem:s20+$0x6400] =	vst v7;
	v7 =	vor.u32 v2, v8  }
0x70: {  	v10 =	vld [tilespmem:s20+$0x3230];
	v8 =	vshll.u32 v9, $0x6;
	[tilespmem:s20+$0x6410] =	vst v7  }
0x71: {  	v7 =	vor.u32 v3, v8;
	[tilespmem:s20+$0x9600] =	vst v6  }
0x72: {  	p1 =	seq.s32 s21, $0x63;
	[tilespmem:s20+$0x6420] =	vst v7  }
0x73: {  	s3 =	sadd.s32 @!p1 s19, s15;
	[tilespmem:s20+$0x9610] =	vst v5  }
0x74: {  	s7 =	sshll.u32 @!p1 s3, $0x8;
	[tilespmem:s20+$0x9620] =	vst v63  }
0x75: {  	s8 =	simm.s32 @!p1 $0x40;
	s3 =	sshll.u32 @!p1 s3, $0x7;
	s7 =	sor.u32 @!p1 s6, s7;
	[tilespmem:s20+$0x9630] =	vst v10  }
0x76: {  	[spmem:s2] =	stream.indirect.scatter.add.f32 [tilespmem:s24], [sflag:$0x5], $0x1, s23, s4, $0xb8;
	[tilespmem:$0x18380] =	vst v63  }
0x77: {  	s18 =	simm.s32 @!p1 $0x100;
	s3 =	sor.u32 @!p1 s6, s3;
	s7 =	sshrl.u32 @!p1 s7, $0x3  }
0x78: {  	[spmem:s2] =	stream.indirect.scatter.add.f32 [tilespmem:s29], [sflag:$0x7], $0x1, s25, s4, $0xb8;
	[tilespmem:$0x18380] =	vst v63  }
0x79: {  	s19 =	simm.s32 @!p1 $0x0;
	s3 =	sshrl.u32 @!p1 s3, $0x3;
	s7 =	sadd.s32 @!p1 s5, s7  }
0x7a: {  	[tilespmem:s19], [sflag:$0x1] =	stream.strided.gather @!p1 [hbm4b:s7+s8], $0x1900, s18, s8, $0x38;
	[tilespmem:$0x18380] =	vst v63  }
0x7b: {  	s3 =	sadd.s32 @!p1 s1, s3;
	s7 =	simm.s32 @!p1 $0x80;
	s18 =	simm.s32 @!p1 $0x3200  }
0x7c: {  	[tilespmem:s18], [sflag:$0x3] =	stream.strided.gather @!p1 [hbm4b:s3+s8], $0x1900, s7, s8, $0x38;
	[tilespmem:$0x18380] =	vst v63  }
0x7d: {  	_ =	swait.ge [sflag:s10], $0x1900  }
0x7e: {  	[sflag:s10] =	ssyncset.done $0x0  }
0x7f: {  	[sflag:s10] =	ssyncadd.s32 $0xFFFFE700  }
0x80: {  	_ =	swait.ge [sflag:s11], $0x1900  }
0x81: {  	[sflag:s11] =	ssyncset.done $0x0  }
0x82: {  	s3 =	simm.s32 @!p0 $0x6;
	[sflag:s11] =	ssyncadd.s32 $0xFFFFE700  }
0x83: {  	_ =	swait.ge @!p0 [sflag:s3], $0xC80  }
0x84: {  	[sflag:s3] =	ssyncset.done @!p0 $0x0  }
0x85: {  	[sflag:s3] =	ssyncadd.s32 @!p0 $0xFFFFF380;
	s3 =	simm.s32 @!p0 $0x8  }
0x86: {  	_ =	swait.ge @!p0 [sflag:s3], $0xC80  }
0x87: {  	[sflag:s3] =	ssyncset.done @!p0 $0x0  }
0x88: {  	s20 =	simm.s32 $0x0;
	[sflag:s3] =	ssyncadd.s32 @!p0 $0xFFFFF380  }
0x89: {  	v7 =	vld [tilespmem:s20+$0x1930]  }
0x8a: {  	v8 =	vld [tilespmem:s20+$0x1900]  }
0x8b: {  	v11 =	vld [tilespmem:s20+$0x1910]  }
0x8c: {  	v9 =	vld [tilespmem:s20+$0x1920]  }
0x8d: {  	v6 =	vld [tilespmem:s20+$0x4B00]  }
0x8e: {  	v5 =	vld [tilespmem:s20+$0x4B10];
	v10 =	vshll.u32 v7, $0x6  }
0x8f: {  	v7 =	vld [tilespmem:s20+$0x4B20];
	v8 =	vshll.u32 v8, $0x6;
	v10 =	vor.u32 v4, v10  }
0x90: {  	s21 =	sadd.s32 $0x1, s21;
	s19 =	simm.s32 $0x40;
	s3 =	simm.s32 $0x200;
	v11 =	vshll.u32 v11, $0x6;
	[tilespmem:s20+$0x7D30] =	vst v10;
	v10 =	vor.u32 v1, v8;
	v8 =	vld [tilespmem:s20+$0x4B30]  }
.LBB2_7:
0x91: {  	p0 =	sne.s32 s3, $0x6300;
	v12 =	vld [tilespmem:s19+$0x1930];
	[tilespmem:s20+$0x7D00] =	vst v10;
	v10 =	vor.u32 v2, v11;
	v9 =	vshll.u32 v9, $0x6  }
0x92: {  	v11 =	vld [tilespmem:s19+$0x1900];
	[tilespmem:s20+$0x7D10] =	vst v10;
	v9 =	vor.u32 v3, v9  }
0x93: {  	v13 =	vld [tilespmem:s19+$0x1910];
	[tilespmem:s20+$0x7D20] =	vst v9  }
.Ltmp2:
0x94: {  	v9 =	vld [tilespmem:s19+$0x1920];
	[tilespmem:s20+$0xAF00] =	vst v6;
	(pc) =	sbr.rel @p0 .LBB2_7-.Ltmp2, $4  }
0x95: {  	v6 =	vld [tilespmem:s19+$0x4B00];
	[tilespmem:s20+$0xAF10] =	vst v5  }
0x96: {  	v5 =	vld [tilespmem:s19+$0x4B10];
	v10 =	vshll.u32 v12, $0x6;
	[tilespmem:s20+$0xAF20] =	vst v7  }
0x97: {  	v11 =	vshll.u32 v11, $0x6;
	v7 =	vld [tilespmem:s19+$0x4B20];
	v12 =	vor.u32 v4, v10;
	[tilespmem:s20+$0xAF30] =	vst v8;
	s20 =	smov.u32 s19  }
0x98: {  	s19 =	sshra.s32 s3, $0x2;
	s3 =	sadd.s32 $0x100, s3;
	v10 =	vor.u32 v1, v11;
	v11 =	vshll.u32 v13, $0x6;
	[tilespmem:s20+$0x7D30] =	vst v12;
	v8 =	vld [tilespmem:s20+$0x4B30]  }
0x99: {  	v12 =	vld [tilespmem:s19+$0x1930];
	[tilespmem:s20+$0x7D00] =	vst v10;
	v57 =	vor.u32 v2, v11;
	v9 =	vshll.u32 v9, $0x6  }
0x9a: {  	v58 =	vld [tilespmem:s19+$0x1900];
	[tilespmem:s20+$0x7D10] =	vst v57;
	v9 =	vor.u32 v3, v9  }
0x9b: {  	v10 =	vld [tilespmem:s19+$0x1910];
	[tilespmem:s20+$0x7D20] =	vst v9  }
0x9c: {  	v9 =	vld [tilespmem:s19+$0x1920];
	[tilespmem:s20+$0xAF00] =	vst v6  }
0x9d: {  	v6 =	vld [tilespmem:s19+$0x4B00];
	[tilespmem:s20+$0xAF10] =	vst v5  }
0x9e: {  	v5 =	vld [tilespmem:s19+$0x4B10];
	[tilespmem:s20+$0xAF20] =	vst v7;
	v7 =	vshll.u32 v12, $0x6  }
0x9f: {  	v59 =	vld [tilespmem:s19+$0x4B20];
	v7 =	vor.u32 v4, v7;
	[tilespmem:s20+$0xAF30] =	vst v8;
	v60 =	vshll.u32 v58, $0x6  }
0xa0: {  	[tilespmem:s19+$0x7D30] =	vst v7;
	v7 =	vor.u32 v1, v60;
	v61 =	vshll.u32 v10, $0x6  }
0xa1: {  	[tilespmem:s19+$0x7D00] =	vst v7;
	v7 =	vor.u32 v2, v61  }
0xa2: {  	v62 =	vld [tilespmem:s19+$0x4B30];
	v63 =	vshll.u32 v9, $0x6;
	[tilespmem:s19+$0x7D10] =	vst v7  }
0xa3: {  	v7 =	vor.u32 v3, v63;
	[tilespmem:s19+$0xAF00] =	vst v6  }
0xa4: {  	[tilespmem:s19+$0x7D20] =	vst v7  }
0xa5: {  	p0 =	sne.s32 s21, $0x64;
	[tilespmem:s19+$0xAF10] =	vst v5  }
.Ltmp3:
0xa6: {  	[tilespmem:s19+$0xAF20] =	vst v59;
	(pc) =	sbr.rel @p0 .LBB2_4-.Ltmp3, $4  }
0xa7: {  	s3 =	simm.s32 $0xAF00;
	[tilespmem:s19+$0xAF30] =	vst v62  }
0xa8: {  	[spmem:s2] =	stream.indirect.scatter.add.f32 [tilespmem:s3], [sflag:$0x6], $0x1, s30, s4, $0xb8;
	[tilespmem:$0x18380] =	vst v63  }
0xa9: {  	s26 =	simm.s32 $0x8980;
	s7 =	simm.s32 $0xBB80  }
0xaa: {  	[spmem:s2] =	stream.indirect.scatter.add.f32 [tilespmem:s7], [sflag:$0x8], $0x1, s26, s4, $0xb8;
	[tilespmem:$0x18380] =	vst v63  }
0xab: {  	s3 =	simm.s32 $0x5  }
0xac: {  	_ =	swait.ge [sflag:s3], $0xC80  }
0xad: {  	[sflag:s3] =	ssyncset.done $0x0  }
0xae: {  	s12 =	simm.s32 $0x7;
	[sflag:s3] =	ssyncadd.s32 $0xFFFFF380  }
0xaf: {  	_ =	swait.ge [sflag:s12], $0xC80  }
0xb0: {  	[sflag:s12] =	ssyncset.done $0x0  }
0xb1: {  	s13 =	simm.s32 $0x6;
	[sflag:s12] =	ssyncadd.s32 $0xFFFFF380  }
0xb2: {  	_ =	swait.ge [sflag:s13], $0xC80  }
0xb3: {  	[sflag:s13] =	ssyncset.done $0x0  }
0xb4: {  	s16 =	simm.s32 $0x8;
	[sflag:s13] =	ssyncadd.s32 $0xFFFFF380  }
0xb5: {  	_ =	swait.ge [sflag:s16], $0xC80  }
0xb6: {  	[sflag:s16] =	ssyncset.done $0x0  }
0xb7: {  	s17 =	sadd.s32 $0x0, s9;
	s7 =	stileid.u32;
	[sflag:s16] =	ssyncadd.s32 $0xFFFFF380  }
0xb8: {  	s20 =	simm.s32 $0x500;
	s7 =	sshll.u32 s7, $0x6;
	[bflag:$0x0] =	sbarrier.arrive $0xFFFF  }
0xb9: {  	s21 =	sshrl.u32 s17, $0x3;
	s19 =	sor.u32 $0x1C09, s7;
	s8 =	rddreg [dreg:$0xc]  }
0xba: {  	[hbm:s8], [sflag:s19] =	dma.local [spmem:s21], $0x8  }
0xbb: {  	s23 =	sadd.s32 $0x40, s17;
	s24 =	sadd.s32 $0x80, s17;
	s13 =	rddreg [dreg:$0xf]  }
0xbc: {  	s7 =	sshrl.u32 s23, $0x3;
	s23 =	sadd.s32 $0xC0, s17;
	s16 =	rddreg [dreg:$0x10]  }
0xbd: {  	s24 =	sshrl.u32 s24, $0x3;
	s23 =	sshrl.u32 s23, $0x3;
	s25 =	rddreg [dreg:$0xd]  }
0xbe: {  	s30 =	sadd.s32 $0x50, s8;
	s8 =	sadd.s32 $0x100, s17;
	s12 =	rddreg [dreg:$0xe]  }
0xbf: {  	s21 =	sadd.s32 $0x50, s13;
	s26 =	sadd.s32 $0x50, s16;
	s18 =	sadd.s32 $0x50, s25  }
0xc0: {  	[hbm:s16], [sflag:s19] =	dma.local [spmem:s7], $0x8  }
0xc1: {  	s29 =	sadd.s32 $0x50, s12;
	s3 =	smov.u32 s13;
	s7 =	smov.u32 s12  }
.LBB2_10:
0xc2: {  	[hbm:s3], [sflag:s19] =	dma.local [spmem:s24], $0x8  }
0xc3: {  	s24 =	smov.u32 s20;
	s3 =	smov.u32 s21;
	s12 =	smov.u32 s26  }
0xc4: {  	[hbm:s7], [sflag:s19] =	dma.local [spmem:s23], $0x8  }
0xc5: {  	p0 =	sne.s32 s20, $0x26C00;
	s20 =	sadd.s32 $0x500, s20;
	s7 =	sshrl.u32 s8, $0x3  }
0xc6: {  	[hbm:s25], [sflag:s19] =	dma.local [spmem:s7], $0x8  }
0xc7: {  	s8 =	smov.u32 s30;
	s25 =	smov.u32 s18;
	s7 =	smov.u32 s29  }
0xc8: {  	s21 =	sadd.s32 $0x50, s21;
	s26 =	sadd.s32 $0x50, s26  }
0xc9: {  	s23 =	sshra.s32 s24, $0x2;
	s18 =	sadd.s32 $0x50, s18;
	s29 =	sadd.s32 $0x50, s29  }
0xca: {  	s30 =	sadd.s32 $0x50, s30;
	s23 =	sadd.s32 s23, s9  }
.Ltmp4:
0xcb: {  	s24 =	sshrl.u32 s23, $0x3;
	s13 =	sadd.s32 $0x80, s23;
	(pc) =	sbr.rel @p0 .LBB2_10-.Ltmp4, $4  }
0xcc: {  	[hbm:s8], [sflag:s19] =	dma.local [spmem:s24], $0x8  }
0xcd: {  	s16 =	sadd.s32 $0xC0, s23;
	s24 =	sadd.s32 $0x40, s23;
	s8 =	sadd.s32 $0x100, s23  }
0xce: {  	s23 =	sshrl.u32 s16, $0x3;
	s17 =	sshrl.u32 s24, $0x3;
	s24 =	sshrl.u32 s13, $0x3  }
0xcf: {  	[hbm:s12], [sflag:s19] =	dma.local [spmem:s17], $0x8  }
0xd0: {  	[hbm:s3], [sflag:s19] =	dma.local [spmem:s24], $0x8  }
0xd1: {  	s30 =	sshrl.u32 s8, $0x3  }
0xd2: {  	[hbm:s7], [sflag:s19] =	dma.local [spmem:s23], $0x8  }
0xd3: {  	[hbm:s25], [sflag:s19] =	dma.local [spmem:s30], $0x8  }
0xd4: {  	_ =	swait.ge [sflag:s28], $0x8  }
0xd5: {  	[sflag:s28] =	ssyncset.done $0x0  }
0xd6: {  	[sflag:s28] =	ssyncadd.s32 $0xFFFFFFF8  }
0xd7: {  	_ =	swait.ge [sflag:s28], $0x8  }
0xd8: {  	[sflag:s28] =	ssyncset.done $0x0  }
0xd9: {  	[sflag:s28] =	ssyncadd.s32 $0xFFFFFFF8  }
0xda: {  	_ =	swait.ge [sflag:s28], $0x8  }
0xdb: {  	[sflag:s28] =	ssyncset.done $0x0  }
0xdc: {  	[sflag:s28] =	ssyncadd.s32 $0xFFFFFFF8  }
0xdd: {  	_ =	swait.ge [sflag:s28], $0x8  }
0xde: {  	[sflag:s28] =	ssyncset.done $0x0  }
0xdf: {  	[sflag:s28] =	ssyncadd.s32 $0xFFFFFFF8  }
0xe0: {  	_ =	swait.ge [sflag:s28], $0x8  }
0xe1: {  	s3 =	simm.s32 $0x7C;
	s29 =	simm.s32 $0xA280;
	[sflag:s28] =	ssyncset.done $0x0  }
.LBB2_12:
0xe2: {  	p0 =	sne.s32 s3, $0x1;
	s3 =	sadd.s32 $0xFFFFFFFF, s3;
	[sflag:s28] =	ssyncadd.s32 $0xFFFFFFF8  }
0xe3: {  	_ =	swait.ge [sflag:s28], $0x8  }
0xe4: {  	[sflag:s28] =	ssyncset.done $0x0  }
0xe5: {  	[sflag:s28] =	ssyncadd.s32 $0xFFFFFFF8  }
0xe6: {  	_ =	swait.ge [sflag:s28], $0x8  }
0xe7: {  	[sflag:s28] =	ssyncset.done $0x0  }
0xe8: {  	[sflag:s28] =	ssyncadd.s32 $0xFFFFFFF8  }
0xe9: {  	_ =	swait.ge [sflag:s28], $0x8  }
0xea: {  	[sflag:s28] =	ssyncset.done $0x0  }
0xeb: {  	[sflag:s28] =	ssyncadd.s32 $0xFFFFFFF8  }
.Ltmp5:
0xec: {  	_ =	swait.ge [sflag:s28], $0x8;
	(pc) =	sbr.rel @p0 .LBB2_12-.Ltmp5, $4  }
0xed: {  	[sflag:s28] =	ssyncset.done $0x0  }
0xee: {  	[sflag:s28] =	ssyncadd.s32 $0xFFFFFFF8  }
0xef: {  	_ =	swait.ge [sflag:s28], $0x8  }
0xf0: {  	[sflag:s28] =	ssyncset.done $0x0  }
0xf1: {  	s7 =	rddreg [dreg:$0x11]  }
0xf2: {  	s3 =	rddreg [dreg:$0xb];
	s7 =	sadd.s32 $0x1, s7  }
0xf3: {  	p0 =	sne.s32 s7, s3  }
.Ltmp6:
0xf4: {  	_ = 	snop;
	(pc) =	sbr.rel @p0 .LBB2_1-.Ltmp6, $4  }
0xf5: {  	_ = 	snop  }
0xf6: {  	[sflag:s28] =	ssyncadd.s32 $0xFFFFFFF8;
	s12 =	simm.s32 $0x100;
	s13 =	simm.s32 $0x80  }
0xf7: {  	s16 =	simm.s32 $0x1900;
	s17 =	simm.s32 $0x4B00;
	s23 =	simm.s32 $0x6400  }
0xf8: {  	s24 =	simm.s32 $0x9600;
	s25 =	simm.s32 $0x7080;
	s30 =	simm.s32 $0x7D00  }
0xf9: {  	_ =	sfence.sel $0x180000  }
0xfa: {  	[bflag:$0x0] =	sbarrier.arrive $0xFFFF  }
0xfb: {  	_ =	strace $0x9000004A  }
0xfc: {  	s0 =	stileid.u32;
	[bflag:$0x2] =	sbarrier.arrive $0xFFFF  }
0xfd: {  	p0 =	sne.s32 s0, $0x0;
	s0 =	rddreg [dreg:$0x4]  }
0xfe: {  	s0 =	sadd.s32 @!p0 $0x100000, s0  }
0xff: {  	[sflag:s0] =	ssyncadd.tile.s32 @!p0 $0x1;
	_ =	shalt  }
.Lfunc_end2:
_tile_overlayer_lowered:
.L_overlay_start_2:
0x100: {  	(tag) =	ssettag $0x2  }
0x101: {  	s0 =	rddreg [dreg:$0x0];
	s2 =	stileid.u32  }
0x102: {  	s1 =	rddreg [dreg:$0x1];
	p0 =	sne.s32 s2, $0x0  }
0x103: {  	s3 =	rddreg [dreg:$0x2];
	[bflag:$0x3] =	sbarrier.arrive $0xFFFF;
	s2 =	simm.s32 @!p0 $0x1C0A  }
0x104: {  	[timem:s3], [sflag:s2] =	dma.local @!p0 [hbm:s0], s1  }
0x105: {  	s0 =	simm.s32 @!p0 $0xA  }
0x106: {  	_ =	swait.ge @!p0 [sflag:s0], s1  }
0x107: {  	s1 =	ssub.s32 @!p0 $0x0, s1;
	[sflag:s0] =	ssyncset.done @!p0 $0x0  }
0x108: {  	[sflag:s0] =	ssyncadd.s32 @!p0 s1  }
0x109: {  	[bflag:$0x3] =	sbarrier.arrive $0xFFFF  }
0x10a: {  	_ =	shalt  }

// kernel: sparse-core-data-format-call.cloned.1.call-start
scs
called_computation_lowered:
.L_overlay_start_0:
0x0: {  	s2 =	sld [smem:$0x3FD9]  }
0x1: {  	s3 =	sld [smem:$0x3FFE];
	_ =	sdelay $0x1  }
0x2: {  	s1 =	srdreg.scid  }
0x3: {  	s0 =	sand.u32 $0x1, s1  }
0x4: {  	s18 =	sshll.u32 s0, $0xA;
	s2 =	sadd.s32 s3, s2  }
0x5: {  	s2 =	sadd.s32 s2, s18  }
0x6: {  	[smem:$0x3FC6] =	sst s2  }
0x7: {  	_ = 	snop  }
0x8: {  	s2 =	sld [smem:$0x3FC9];
	(tm) =	ssettm $0x1  }
0x9: {  	s19 =	sld [smem:$0x3FFB];
	_ =	sdelay $0x3  }
0xa: {  	_ =	strace s19  }
0xb: {  	s3 =	sld [smem:$0x3FFC];
	_ =	sdelay $0x3  }
0xc: {  	_ =	strace s3  }
0xd: {  	s3 =	sld [smem:$0x3FFD];
	_ =	sdelay $0x3  }
0xe: {  	_ =	strace s3  }
0xf: {  	_ =	strace $0x8FFFFFFF  }
0x10: {  	s20 =	sld [smem:$0x3FDB];
	_ =	sdelay $0x1  }
0x11: {  	s4 =	simm.s32 $_scs_section_size  }
0x12: {  	s5 =	simm.s32 $_size__tile_overlayer_lowered;
	s6 =	simm.s32 $_tile_overlayer_lowered  }
0x13: {  	s23 =	simm.s32 $0x1BFF;
	s22 =	sshll.u32 s6, $0x1;
	s3 =	sadd.s32 s4, s20  }
0x14: {  	s7 =	simm.s32 $0x0;
	s21 =	sshll.u32 s5, $0x1;
	s5 =	sadd.s32 s22, s3  }
0x15: {  	[timem:s7], [sflag:s23] =	dma.local [hbm:s5], s21  }
0x16: {  	_ =	swait.ge [sflag:s23], s21  }
0x17: {  	s4 =	ssub.s32 $0x0, s21;
	[sflag:s23] =	ssyncset.done $0x0  }
0x18: {  	[sflag:s23] =	ssyncadd.s32 s4;
	_ =	sdelay $0x1  }
0x19: {  	s24 =	simm.s32 $0x1B8B  }
0x1a: {  	_ =	swait.ge [sflag:s24], $0x1  }
0x1b: {  	[sflag:s24] =	ssyncset.done $0x0  }
0x1c: {  	s26 =	simm.s32 $0x1B8E;
	s25 =	sld [smem:$0x3FFE];
	[sflag:s24] =	ssyncadd.s32 $0xFFFFFFFF  }
0x1d: {  	s27 =	simm.s32 $execute0_lowered;
	[smem:$0x3FD2] =	sst s26  }
0x1e: {  	s5 =	sshll.u32 s27, $0x1;
	_ =	strace $0x80000046;
	[dreg:$0x1] =	wrdreg $0xFFFFFFFF  }
0x1f: {  	s28 =	simm.s32 $_size_execute0_lowered;
	s3 =	sadd.s32 s3, s5;
	[dreg:$0x0] =	wrdreg $0x0  }
0x20: {  	s5 =	sshll.u32 s28, $0x1;
	[dreg:$0x2] =	wrdreg s3  }
0x21: {  	[dreg:$0x3] =	wrdreg s5  }
0x22: {  	[dreg:$0x4] =	wrdreg $0xC0  }
0x23: {  	_ =	task [dreg:s7], $0x5FFFF  }
0x24: {  	[dreg:$0x1] =	wrdreg $0xFFFFFFFF  }
0x25: {  	[dreg:$0x0] =	wrdreg $0x60  }
0x26: {  	[dreg:$0x2] =	wrdreg s2  }
0x27: {  	[dreg:$0x3] =	wrdreg s25  }
0x28: {  	[dreg:$0x4] =	wrdreg $0x9  }
0x29: {  	_ =	task.clear_ibuf [dreg:s7], $0x5FFFF;
	_ =	strace $0x90000046  }
0x2a: {  	s29 =	simm.s32 $0x9;
	_ =	strace $0x80000048  }
0x2b: {  	_ =	swait.ge [sflag:s29], $0x1  }
0x2c: {  	[sflag:s29] =	ssyncadd.s32 $0xFFFFFFFF  }
0x2d: {  	_ =	strace $0x90000048  }
0x2e: {  	_ =	sfence  }
0x2f: {  	s30 =	sld [smem:$0x0];
	_ =	sdelay $0x2  }
0x30: {  	s31 =	sshll.u32 s1, $0xD;
	s1 =	sshrl.u32 s1, $0x2  }
0x31: {  	s3 =	sand.u32 $0x4000, s31;
	s1 =	sadd.s32 s1, s30  }
0x32: {  	s0 =	sor.u32 s3, s0;
	s1 =	sshll.u32 s1, $0x11  }
0x33: {  	s0 =	sor.u32 s1, s0  }
0x34: {  	s0 =	sadd.s32 $0x8F2B, s0  }
0x35: {  	[sflag:s0] =	ssyncadd.remote.s32 $0x1  }
0x36: {  	_ =	sfence.sel $0xFFFF  }
0x37: {  	[dreg:$0x0] =	wrdreg $0xFFFFFFFF;
	(pc) =	sbr.abs _section_cstart, $3  }
0x38: {  	[dreg:$0x1] =	wrdreg $0xFFFFFFFF  }
0x39: {  	_ =	task.clear_ibuf [dreg:s7], $0x2FFFF;
	_ =	strace $0x9FFFFFFF  }
0x3a: {  	(tm) =	ssettm $0x7FFFFFFF  }
0x3b: {  	_ =	shalt  }
tec
execute0_lowered:
.L_overlay_start_1:
0x0: {  	(tag) =	ssettag $0x1  }
0x1: {  	s0 =	srdreg.scid  }
0x2: {  	s1 =	sshll.u32 s0, $0x4  }
0x3: {  	s2 =	rddreg [dreg:$0x0];
	s0 =	stileid.u32;
	s1 =	sand.u32 $0x10, s1  }
0x4: {  	s4 =	rddreg [dreg:$0x1];
	s7 =	simm.s32 $0x1;
	s1 =	sor.u32 s0, s1  }
0x5: {  	s8 =	simm.s32 $0x2;
	s9 =	simm.s32 $0x0;
	s3 =	sshll.u32 s1, $0x3  }
0x6: {  	s12 =	simm.s32 $0x0;
	s11 =	simm.s32 $0x0;
	s6 =	ssub.s32 $0x9C40, s3  }
.Ltmp0:
0x7: {  	s4 =	sadd.s32 $0x800, s4;
	s5 =	sand.u32 $0xF8, s6;
	(pc) =	sbr.rel .LBB1_1-.Ltmp0, $4  }
0x8: {  	s1 =	rddreg [dreg:$0x2];
	_ =	strace $0x80000047;
	p0 =	sne.s32 s5, $0x0  }
0x9: {  	s6 =	sshrl.u32 s6, $0x8;
	s5 =	simm.s32 $0x1;
	s7 =	simm.s32 @!p0 $0x0  }
0xa: {  	s10 =	smov.u32 s3;
	[sflag:s5] =	ssyncpa.u1 $0x0;
	s6 =	sadd.s32 s7, s6  }
0xb: {  	[sflag:s8] =	ssyncpa.u1 $0x0;
	s8 =	simm.s32 $0x0;
	s7 =	sadd.s32 $0x1, s6  }
.LBB1_9:
0xc: {  	s14 =	sadd.s32 $0x100, s10  }
0xd: {  	p1 =	sgt.s32 s14, $0x9C3F  }
0xe: {  	s14 =	smov.u32 @p1 s3;
	p1 =	sne.s32 s11, s7  }
.Ltmp1:
0xf: {  	p0 =	slt.u32 s11, $0x2;
	(pc) =	sbr.rel @!p1 .LBB1_10-.Ltmp1, $4  }
0x10: {  	s13 =	simm.s32 @!p0 $0x2  }
0x11: {  	s15 =	sadd.s32 $0x1, s11;
	_ =	swait.ge @!p0 [sflag:s13], $0x4000  }
0x12: {  	s12 =	smov.u32 s10;
	s9 =	sadd.s32 $0x4000, s9;
	[sflag:s13] =	ssyncset.done @!p0 $0x0  }
0x13: {  	s11 =	smov.u32 s15;
	s10 =	smov.u32 s14;
	[sflag:s13] =	ssyncadd.s32 @!p0 $0xFFFFC000  }
.LBB1_1:
0x14: {  	p0 =	sge.u32 s11, s6  }
0x15: {  	s13 =	sxor.u32 @!p0 $0xFFFFFFFF, s11  }
0x16: {  	s31 =	sadd.s32 $0xFFFFFFFF, s11;
	s14 =	sshll.u32 @!p0 s10, $0x8;
	s13 =	sshll.u32 @!p0 s13, $0xE  }
0x17: {  	s15 =	simm.s32 @!p0 $0x0;
	s14 =	sadd.s32 @!p0 s2, s14;
	s13 =	sand.u32 @!p0 $0x4000, s13  }
0x18: {  	[tilespmem:s13], [sflag:$0x1] =	stream.linear.gather @!p0 [hbm4b:s14+s15], $0x4000, $0x38;
	[tilespmem:$0x10000] =	vst v63  }
0x19: {  	p0 =	sge.u32 s31, s6  }
.Ltmp2:
0x1a: {  	_ = 	snop;
	(pc) =	sbr.rel @p0 .LBB1_9-.Ltmp2, $1  }
0x1b: {  	_ =	sdelay $0x3  }
0x1c: {  	s13 =	sshll.u32 s9, $0x2;
	_ =	swait.ge [sflag:s5], $0x4000;
	s14 =	sshll.u32 s11, $0xE  }
0x1d: {  	s16 =	simm.s32 $0x0;
	s17 =	simm.s32 $0x0;
	s15 =	sand.u32 $0x10000, s13  }
0x1e: {  	[sflag:s5] =	ssyncset.done $0x0;
	s31 =	sand.u32 $0x4000, s14;
	s14 =	sshrl.u32 s15, $0x2  }
0x1f: {  	[sflag:s5] =	ssyncadd.s32 $0xFFFFC000;
	s13 =	sor.u32 $0x8000, s31;
	s15 =	sor.u32 $0x8000, s14  }
.LBB1_3:
0x20: {  	s18 =	sshra.s32 s16, $0x2  }
0x21: {  	v0 =	vmov s18;
	_ =	sdelay $0x3  }
0x22: {  	p1 =	por $0x1, $0x1;
	s18 =	simm.s32 $0x0  }
.LBB1_4:
0x23: {  	_ = 	snop  }
0x24: {  	s19 =	sshll.u32 s18, $0xA  }
0x25: {  	s19 =	sand.u32 $0x3FFFFC00, s19  }
0x26: {  	s19 =	sadd.s32 s19, s14  }
0x27: {  	v5 =	vld.idx.msk [tilespmem:v0+s19+$0x70 ss:$0x1], $0xffff  }
0x28: {  	v6 =	vld.idx.msk [tilespmem:v0+s19+$0x10 ss:$0x1], $0xffff  }
0x29: {  	v7 =	vld.idx.msk [tilespmem:v0+s19+$0x20 ss:$0x1], $0xffff  }
0x2a: {  	s31 =	sshll.u32 s18, $0x7;
	v1 =	vld.idx.msk [tilespmem:v0+s19+$0x30 ss:$0x1], $0xffff  }
0x2b: {  	s18 =	sand.u32 $0x3FFFFF80, s31;
	v2 =	vld.idx.msk [tilespmem:v0+s19+$0x40 ss:$0x1], $0xffff  }
0x2c: {  	s18 =	sadd.s32 s18, s15;
	v3 =	vld.idx.msk [tilespmem:v0+s19+$0x50 ss:$0x1], $0xffff  }
0x2d: {  	v4 =	vld.idx.msk [tilespmem:v0+s19+$0x60 ss:$0x1], $0xffff;
	[tilespmem:v0+s18+$0x70 ss:$0x1] =	vst.idx.msk $0xffff, v5  }
0x2e: {  	v5 =	vld.idx.msk [tilespmem:v0+s19+$0x0 ss:$0x1], $0xffff;
	[tilespmem:v0+s18+$0x10 ss:$0x1] =	vst.idx.msk $0xffff, v6;
	s19 =	sadd.s32 $0x80, s19  }
0x2f: {  	p0 =	por p1, p1;
	s20 =	simm.s32 $0x6;
	[tilespmem:v0+s18+$0x20 ss:$0x1] =	vst.idx.msk $0xffff, v7;
	v6 =	vld.idx.msk [tilespmem:v0+s19+$0x70 ss:$0x1], $0xffff  }
.LBB1_5:
0x30: {  	p1 =	sne.s32 s20, $0x1;
	v7 =	vld.idx.msk [tilespmem:v0+s19+$0x10 ss:$0x1], $0xffff;
	[tilespmem:v0+s18+$0x30 ss:$0x1] =	vst.idx.msk $0xffff, v1  }
0x31: {  	v8 =	vld.idx.msk [tilespmem:v0+s19+$0x20 ss:$0x1], $0xffff;
	[tilespmem:v0+s18+$0x40 ss:$0x1] =	vst.idx.msk $0xffff, v2  }
0x32: {  	v1 =	vld.idx.msk [tilespmem:v0+s19+$0x30 ss:$0x1], $0xffff;
	[tilespmem:v0+s18+$0x50 ss:$0x1] =	vst.idx.msk $0xffff, v3  }
.Ltmp3:
0x33: {  	v2 =	vld.idx.msk [tilespmem:v0+s19+$0x40 ss:$0x1], $0xffff;
	[tilespmem:v0+s18+$0x60 ss:$0x1] =	vst.idx.msk $0xffff, v4;
	(pc) =	sbr.rel @p1 .LBB1_5-.Ltmp3, $4  }
0x34: {  	v3 =	vld.idx.msk [tilespmem:v0+s19+$0x50 ss:$0x1], $0xffff;
	[tilespmem:v0+s18+$0x0 ss:$0x1] =	vst.idx.msk $0xffff, v5;
	s18 =	sadd.s32 $0x100, s18  }
0x35: {  	v4 =	vld.idx.msk [tilespmem:v0+s19+$0x60 ss:$0x1], $0xffff;
	[tilespmem:v0+s18+$0x70 ss:$0x1] =	vst.idx.msk $0xffff, v6  }
0x36: {  	v5 =	vld.idx.msk [tilespmem:v0+s19+$0x0 ss:$0x1], $0xffff;
	[tilespmem:v0+s18+$0x10 ss:$0x1] =	vst.idx.msk $0xffff, v7;
	s19 =	sadd.s32 $0x80, s19  }
0x37: {  	s20 =	sadd.s32 $0xFFFFFFFF, s20;
	v6 =	vld.idx.msk [tilespmem:v0+s19+$0x70 ss:$0x1], $0xffff;
	[tilespmem:v0+s18+$0x20 ss:$0x1] =	vst.idx.msk $0xffff, v8  }
0x38: {  	_ =	sdelay $0x3  }
0x39: {  	[tilespmem:v0+s18+$0x30 ss:$0x1] =	vst.idx.msk $0xffff, v1  }
0x3a: {  	v1 =	vld.idx.msk [tilespmem:v0+s19+$0x10 ss:$0x1], $0xffff;
	[tilespmem:v0+s18+$0x40 ss:$0x1] =	vst.idx.msk $0xffff, v2  }
0x3b: {  	v2 =	vld.idx.msk [tilespmem:v0+s19+$0x20 ss:$0x1], $0xffff;
	[tilespmem:v0+s18+$0x50 ss:$0x1] =	vst.idx.msk $0xffff, v3  }
0x3c: {  	v61 =	vld.idx.msk [tilespmem:v0+s19+$0x40 ss:$0x1], $0xffff;
	[tilespmem:v0+s18+$0x60 ss:$0x1] =	vst.idx.msk $0xffff, v4  }
0x3d: {  	s31 =	sadd.s32 $0x100, s18;
	v62 =	vld.idx.msk [tilespmem:v0+s19+$0x50 ss:$0x1], $0xffff;
	[tilespmem:v0+s18+$0x0 ss:$0x1] =	vst.idx.msk $0xffff, v5  }
0x3e: {  	v63 =	vld.idx.msk [tilespmem:v0+s19+$0x60 ss:$0x1], $0xffff;
	[tilespmem:v0+s31+$0x70 ss:$0x1] =	vst.idx.msk $0xffff, v6  }
0x3f: {  	v3 =	vld.idx.msk [tilespmem:v0+s19+$0x30 ss:$0x1], $0xffff;
	[tilespmem:v0+s31+$0x10 ss:$0x1] =	vst.idx.msk $0xffff, v1  }
0x40: {  	v1 =	vld.idx.msk [tilespmem:v0+s19+$0x0 ss:$0x1], $0xffff;
	[tilespmem:v0+s31+$0x20 ss:$0x1] =	vst.idx.msk $0xffff, v2  }
.Ltmp4:
0x41: {  	[tilespmem:v0+s31+$0x40 ss:$0x1] =	vst.idx.msk $0xffff, v61;
	(pc) =	sbr.rel @p0 .LBB1_4-.Ltmp4, $4  }
0x42: {  	[tilespmem:v0+s31+$0x50 ss:$0x1] =	vst.idx.msk $0xffff, v62  }
0x43: {  	[tilespmem:v0+s31+$0x60 ss:$0x1] =	vst.idx.msk $0xffff, v63  }
0x44: {  	[tilespmem:v0+s31+$0x30 ss:$0x1] =	vst.idx.msk $0xffff, v3  }
0x45: {  	p1 =	por $0x0, $0x0;
	s18 =	simm.s32 $0x1;
	[tilespmem:v0+s31+$0x0 ss:$0x1] =	vst.idx.msk $0xffff, v1  }
0x46: {  	s17 =	sadd.s32 $0x1, s17  }
0x47: {  	p0 =	sne.s32 s17, $0x8  }
.Ltmp5:
0x48: {  	_ = 	snop;
	(pc) =	sbr.rel @p0 .LBB1_3-.Ltmp5, $2  }
0x49: {  	_ =	sdelay $0x2  }
0x4a: {  	s16 =	sadd.s32 $0x2000, s16  }
.Ltmp6:
0x4b: {  	(pc) =	sbr.rel .LBB1_9-.Ltmp6, $4  }
0x4c: {  	_ = 	snop  }
0x4d: {  	s12 =	sshll.u32 s12, $0x8  }
0x4e: {  	s12 =	sadd.s32 s4, s12  }
0x4f: {  	[hbm4b:s12+s8] =	stream.linear.scatter [tilespmem:s13], [sflag:$0x2], $0x4000, $0x38;
	[tilespmem:$0x10000] =	vst v63  }
.LBB1_10:
0x50: {  	_ =	sfence.sel $0x180000  }
0x51: {  	s2 =	simm.s32 $0x1;
	[bflag:$0x0] =	sbarrier.arrive $0xFFFF  }
0x52: {  	s31 =	simm.s32 $0x2;
	[sflag:s2] =	ssyncpa.u1 $0x1  }
0x53: {  	[sflag:s31] =	ssyncpa.u1 $0x1  }
0x54: {  	p0 =	sne.s32 s0, $0x0;
	_ =	strace $0x90000047  }
0x55: {  	s0 =	sadd.s32 @!p0 $0x100000, s1;
	[bflag:$0x2] =	sbarrier.arrive $0xFFFF  }
0x56: {  	[sflag:s0] =	ssyncadd.tile.s32 @!p0 $0x1;
	_ =	shalt  }
.Lfunc_end1:
_tile_overlayer_lowered:
.L_overlay_start_2:
0x57: {  	(tag) =	ssettag $0x2  }
0x58: {  	s0 =	rddreg [dreg:$0x0];
	s2 =	stileid.u32  }
0x59: {  	s1 =	rddreg [dreg:$0x1];
	p0 =	sne.s32 s2, $0x0  }
0x5a: {  	s3 =	rddreg [dreg:$0x2];
	[bflag:$0x3] =	sbarrier.arrive $0xFFFF;
	s2 =	simm.s32 @!p0 $0x1C01  }
0x5b: {  	[timem:s3], [sflag:s2] =	dma.local @!p0 [hbm:s0], s1  }
0x5c: {  	s0 =	simm.s32 @!p0 $0x1  }
0x5d: {  	_ =	swait.ge @!p0 [sflag:s0], s1  }
0x5e: {  	s1 =	ssub.s32 @!p0 $0x0, s1;
	[sflag:s0] =	ssyncset.done @!p0 $0x0  }
0x5f: {  	[sflag:s0] =	ssyncadd.s32 @!p0 s1  }
0x60: {  	[bflag:$0x3] =	sbarrier.arrive $0xFFFF  }
0x61: {  	_ =	shalt  }

</sc_bundles>
